<compile_context>
chip_gen: v7x
topology: tpu7x:2x2x1
jax: 0.10.2.dev20260603
libtpu: 0.0.44.dev20260713+nightly
codegen_flags: <defaults>
</compile_context>

<pallas_src>
import functools

import jax
import jax.numpy as jnp
from jax import lax
from jax.experimental import pallas as pl
from jax.experimental.pallas import tpu as pltpu
from jax.experimental.pallas import tpu_sc as plsc

_D = 768
_NPOS = 12
_DEEP = 4
_PROJ = 896
_LSEQ = 77
_NSEG = 4
_CHUNK = 16

_N_CTX_SEG = (_NPOS, 2 * _NPOS, _NPOS, 2 * _NPOS)
_WPS = 6
_NCHIP = _D // 128
_OUT_ROWS = _LSEQ * _NCHIP
_OUT_PAD = _OUT_ROWS + 2

_info = plsc.get_sparse_core_info()
_NC = _info.num_cores


@functools.partial(
    pl.kernel,
    mesh=plsc.VectorSubcoreMesh(core_axis_name="c", subcore_axis_name="s"),
    out_type=tuple(
        jax.ShapeDtypeStruct((_OUT_PAD, 128), jnp.float32)
        for _ in range(_NSEG)
    ),
    scratch_types=[
        pltpu.VMEM((_LSEQ,), jnp.int32),
        pltpu.VMEM((_CHUNK, _D), jnp.float32),
        pltpu.VMEM((_NPOS * _NCHIP, 128), jnp.float32),
        pltpu.SemaphoreType.DMA,
    ],
    compiler_params=pltpu.CompilerParams(
        needs_layout_passes=False, skip_device_barrier=True,
        disable_semaphore_checks=True),
)
def _sc_prompts(table, gpos, gneg, lpos, lneg, tok0, tok1, tok2, tok3,
                out_gp, out_gn, out_lp, out_ln, tokv, buf, cbuf, sem):
    out_refs = (out_gp, out_gn, out_lp, out_ln)
    tok_refs = (tok0, tok1, tok2, tok3)
    ctx_runs = (((gpos, 1),), ((gpos, 1), (gneg, 1 + _NPOS)),
                ((lpos, 1),), ((lpos, 1), (lneg, 1 + _NPOS)))
    wid = lax.axis_index("s") * _NC + lax.axis_index("c")
    iota = lax.iota(jnp.int32, _CHUNK)
    for s in range(_NSEG):
        nctx = _N_CTX_SEG[s]
        njobs = _LSEQ - nctx
        ntokw = 5 if s % 2 == 0 else 4
        lo = _WPS * s

        @pl.when((wid >= lo) & (wid < lo + _WPS))
        def _(s=s, nctx=nctx, njobs=njobs, ntokw=ntokw, lo=lo):
            k = wid - lo

            @pl.when(k < ntokw)
            def _():
                pltpu.sync_copy(tok_refs[s], tokv)
                i = jnp.minimum(iota + k * _CHUNK, njobs - 1)
                pos = jnp.where(i < 1, 0, nctx + i)
                sidx = plsc.load_gather(tokv, [pos])
                pltpu.async_copy(table.at[sidx], buf, sem).wait()
                puts = [
                    pltpu.async_copy(
                        buf.at[pl.ds(0, _CHUNK), pl.ds(128 * j, 128)],
                        out_refs[s].at[pos * _NCHIP + j], sem)
                    for j in range(_NCHIP)
                ]
                for p in puts:
                    p.wait()

            for t, (cref, dst0) in enumerate(ctx_runs[s]):
                @pl.when(k == ntokw + t)
                def _(cref=cref, dst0=dst0):
                    pltpu.sync_copy(cref, cbuf)
                    nrow = _NPOS * _NCHIP
                    offs = [*range(0, nrow - _CHUNK, _CHUNK), nrow - _CHUNK]
                    puts = [
                        pltpu.async_copy(
                            cbuf.at[pl.ds(off, _CHUNK)],
                            out_refs[s].at[dst0 * _NCHIP + off + iota], sem)
                        for off in offs
                    ]
                    for p in puts:
                        p.wait()


def _proj_body(cp_ref, w_ref, b_ref, out_ref):
    l = pl.program_id(0)
    out_ref[...] = (
        jnp.dot(cp_ref[0], w_ref[0], preferred_element_type=jnp.float32)
        + b_ref[pl.ds(l, 1)]
    )[None]


_proj = pl.pallas_call(
    _proj_body,
    grid=(8,),
    in_specs=[
        pl.BlockSpec((1, _DEEP, _D), lambda l: (l, 0, 0)),
        pl.BlockSpec((1, _D, _PROJ), lambda l: (l, 0, 0)),
        pl.BlockSpec((8, _PROJ), lambda l: (0, 0)),
    ],
    out_specs=pl.BlockSpec((1, _DEEP, _PROJ), lambda l: (l, 0, 0)),
    out_shape=jax.ShapeDtypeStruct((8, _DEEP, _PROJ), jnp.float32),
)


def kernel(token_embedding, ctx_global_pos, ctx_global_neg, ctx_local_pos,
           ctx_local_neg, compound_prompts_text, proj_W, proj_b,
           tokens_global_pos, tokens_global_neg, tokens_local_pos,
           tokens_local_neg):
    outs = _sc_prompts(
        token_embedding,
        ctx_global_pos.reshape(_NPOS * _NCHIP, 128),
        ctx_global_neg.reshape(_NPOS * _NCHIP, 128),
        ctx_local_pos.reshape(_NPOS * _NCHIP, 128),
        ctx_local_neg.reshape(_NPOS * _NCHIP, 128),
        tokens_global_pos.reshape(-1), tokens_global_neg.reshape(-1),
        tokens_local_pos.reshape(-1), tokens_local_neg.reshape(-1),
    )
    projected = _proj(compound_prompts_text, proj_W, proj_b)
    return (*(
        lax.slice(o, (0, 0), (_OUT_ROWS, 128)).reshape(1, _LSEQ, _D)
        for o in outs
    ), projected)

# --- scband reference (transcript-rebuilt; emitter-appended) ---
"""Pipeline reference for scband-glocal-clip-prompt-learner-68487548502257 (READ-ONLY COPY).

The authoritative reference and input builder live on the scoring server;
editing this copy changes nothing except your own understanding.
"""

import jax, jax.numpy as jnp
import numpy as np

VOCAB = 49408
CTX_DIM = 768
N_CTX_POS = 12
N_CTX_NEG = 12
DEPTH = 9
DEEP_LEN = 4
PROJ_DIM = 896
CTX_LEN = 77
N_CLS = 1


def setup_inputs(seed: int = 0):
    key = jax.random.key(seed)
    ks = jax.random.split(key, 12)
    inp = {}
    inp['token_embedding'] = jax.random.normal(ks[0], (VOCAB, CTX_DIM), dtype=jnp.float32) * 0.02
    inp['ctx_global_pos'] = jax.random.normal(ks[1], (N_CLS, 1, N_CTX_POS, CTX_DIM), dtype=jnp.float32) * 0.02
    inp['ctx_global_neg'] = jax.random.normal(ks[2], (N_CLS, 1, N_CTX_NEG, CTX_DIM), dtype=jnp.float32) * 0.02
    inp['ctx_local_pos'] = jax.random.normal(ks[3], (N_CLS, 1, N_CTX_POS, CTX_DIM), dtype=jnp.float32) * 0.02
    inp['ctx_local_neg'] = jax.random.normal(ks[4], (N_CLS, 1, N_CTX_NEG, CTX_DIM), dtype=jnp.float32) * 0.02
    inp['compound_prompts_text'] = jax.random.normal(ks[5], (DEPTH - 1, DEEP_LEN, CTX_DIM), dtype=jnp.float32) * 0.02
    inp['proj_W'] = jax.random.normal(ks[6], (DEPTH - 1, CTX_DIM, PROJ_DIM), dtype=jnp.float32) * 0.02
    inp['proj_b'] = jnp.zeros((DEPTH - 1, PROJ_DIM), dtype=jnp.float32)
    inp['tokens_global_pos'] = jax.random.randint(ks[7], (N_CLS, CTX_LEN), 0, VOCAB, dtype=jnp.int32)
    inp['tokens_global_neg'] = jax.random.randint(ks[8], (N_CLS, CTX_LEN), 0, VOCAB, dtype=jnp.int32)
    inp['tokens_local_pos'] = jax.random.randint(ks[9], (N_CLS, CTX_LEN), 0, VOCAB, dtype=jnp.int32)
    inp['tokens_local_neg'] = jax.random.randint(ks[10], (N_CLS, CTX_LEN), 0, VOCAB, dtype=jnp.int32)
    return inp


def _embed(table, tokens):
    # CLIP token_embedding lookup, then reshape(num, n_cls, L, D).permute(1, 0, 2, 3)
    e = jnp.take(table, tokens, axis=0)
    return e.reshape(1, N_CLS, CTX_LEN, CTX_DIM).transpose(1, 0, 2, 3)


def reference(token_embedding, ctx_global_pos, ctx_global_neg, ctx_local_pos, ctx_local_neg,
              compound_prompts_text, proj_W, proj_b,
              tokens_global_pos, tokens_global_neg, tokens_local_pos, tokens_local_neg):
    emb_gp = _embed(token_embedding, tokens_global_pos)
    emb_gn = _embed(token_embedding, tokens_global_neg)
    emb_lp = _embed(token_embedding, tokens_local_pos)
    emb_ln = _embed(token_embedding, tokens_local_neg)

    prefix_gp = emb_gp[:, :, :1, :]
    suffix_gp = emb_gp[:, :, 1 + N_CTX_POS:, :]
    prefix_gn = emb_gn[:, :, :1, :]
    suffix_gn = emb_gn[:, :, 1 + N_CTX_POS + N_CTX_NEG:, :]
    prefix_lp = emb_lp[:, :, :1, :]
    suffix_lp = emb_lp[:, :, 1 + N_CTX_POS:, :]
    prefix_ln = emb_ln[:, :, :1, :]
    suffix_ln = emb_ln[:, :, 1 + N_CTX_POS + N_CTX_NEG:, :]

    prompts_gp = jnp.concatenate([prefix_gp, ctx_global_pos, suffix_gp], axis=2).reshape(-1, CTX_LEN, CTX_DIM)
    prompts_gn = jnp.concatenate([prefix_gn, ctx_global_pos, ctx_global_neg, suffix_gn], axis=2).reshape(-1, CTX_LEN, CTX_DIM)
    prompts_lp = jnp.concatenate([prefix_lp, ctx_local_pos, suffix_lp], axis=2).reshape(-1, CTX_LEN, CTX_DIM)
    prompts_ln = jnp.concatenate([prefix_ln, ctx_local_pos, ctx_local_neg, suffix_ln], axis=2).reshape(-1, CTX_LEN, CTX_DIM)

    # compound_prompt_projections: per-depth Linear(ctx_dim -> 896)
    projected = jnp.einsum('ldk,lkm->ldm', compound_prompts_text, proj_W) + proj_b[:, None, :]

    return (prompts_gp, prompts_gn, prompts_lp, prompts_ln, projected)

if __name__ == "__main__":
    import jax
    _d = setup_inputs()
    print(jax.jit(kernel)(*tuple(_d.values())))

</pallas_src>

<mosaic_0001>
#map = affine_map<(d0, d1) -> (0, 0)>
#map1 = affine_map<(d0, d1) -> (0)>
module attributes {stable_mosaic.version = 14 : i64} {
  func.func @_sc_prompts(%arg0: i32, %arg1: i32, %arg2: memref<49408x768xf32, #tpu.memory_space<hbm>>, %arg3: memref<72x128xf32, #tpu.memory_space<hbm>>, %arg4: memref<72x128xf32, #tpu.memory_space<hbm>>, %arg5: memref<72x128xf32, #tpu.memory_space<hbm>>, %arg6: memref<72x128xf32, #tpu.memory_space<hbm>>, %arg7: memref<77xi32, #tpu.memory_space<hbm>>, %arg8: memref<77xi32, #tpu.memory_space<hbm>>, %arg9: memref<77xi32, #tpu.memory_space<hbm>>, %arg10: memref<77xi32, #tpu.memory_space<hbm>>, %arg11: memref<464x128xf32, #tpu.memory_space<hbm>>, %arg12: memref<464x128xf32, #tpu.memory_space<hbm>>, %arg13: memref<464x128xf32, #tpu.memory_space<hbm>>, %arg14: memref<464x128xf32, #tpu.memory_space<hbm>>, %arg15: memref<77xi32, #tpu.memory_space<vmem>>, %arg16: memref<16x768xf32, #tpu.memory_space<vmem>>, %arg17: memref<72x128xf32, #tpu.memory_space<vmem>>, %arg18: memref<!tpu.dma_semaphore, #tpu.memory_space<semaphore_mem>>) attributes {dimension_semantics = [#tpu.dimension_semantics<core_parallel>, #tpu.dimension_semantics<subcore_parallel>], iteration_bounds = array<i64: 2, 16>, scalar_prefetch = 0 : i64, scratch_operands = 4 : i64, tpu.core_type = #tpu.core_type<sc_vector_subcore>, window_params = [{transform_indices = #map}, {transform_indices = #map}, {transform_indices = #map}, {transform_indices = #map}, {transform_indices = #map}, {transform_indices = #map1}, {transform_indices = #map1}, {transform_indices = #map1}, {transform_indices = #map1}, {transform_indices = #map}, {transform_indices = #map}, {transform_indices = #map}, {transform_indices = #map}]} {
    %mul3A = arith.constant 2 : i32
    %mul3A_0 = arith.muli %arg1, %mul3A : i32
    %add3A = arith.addi %mul3A_0, %arg0 : i32
    %iota3A = tpu.iota {dimensions = array<i32: 0>} : vector<16xi32>
    %ge3A = arith.constant 0 : i32
    %ge3A_1 = arith.cmpi sge, %add3A, %ge3A : i32
    %lt3A = arith.constant 6 : i32
    %lt3A_2 = arith.cmpi slt, %add3A, %lt3A : i32
    %and3A = arith.andi %ge3A_1, %lt3A_2 : i1
    %convert_element_type3A = arith.extui %and3A : i1 to i32
    %cond3A = arith.constant 0 : i32
    %cond3A_3 = arith.cmpi ne, %convert_element_type3A, %cond3A : i32
    scf.if %cond3A_3 {
      %sub3A = arith.constant 0 : i32
      %sub3A_28 = arith.subi %add3A, %sub3A : i32
      %lt3A_29 = arith.constant 5 : i32
      %lt3A_30 = arith.cmpi slt, %sub3A_28, %lt3A_29 : i32
      %convert_element_type3A_31 = arith.extui %lt3A_30 : i1 to i32
      %cond3A_32 = arith.constant 0 : i32
      %cond3A_33 = arith.cmpi ne, %convert_element_type3A_31, %cond3A_32 : i32
      scf.if %cond3A_33 {
        "tpu.region"() ({
          %run_scoped3A = tpu.sem_alloc : memref<!tpu.dma_semaphore, #tpu.memory_space<semaphore_mem>>
          tpu.enqueue_dma source(%arg7 : memref<77xi32, #tpu.memory_space<hbm>>) target(%arg15 : memref<77xi32, #tpu.memory_space<vmem>>) target_semaphore(%run_scoped3A : memref<!tpu.dma_semaphore, #tpu.memory_space<semaphore_mem>>)
          tpu.wait_dma2 semaphore(%run_scoped3A : memref<!tpu.dma_semaphore, #tpu.memory_space<semaphore_mem>>) src(%arg7 : memref<77xi32, #tpu.memory_space<hbm>>) dst(%arg15 : memref<77xi32, #tpu.memory_space<vmem>>)
          tpu.yield
        }) : () -> ()
        %mul3A_38 = arith.constant 16 : i32
        %mul3A_39 = arith.muli %sub3A_28, %mul3A_38 : i32
        %add3A_40 = vector.broadcast %mul3A_39 : i32 to vector<16xi32>
        %add3A_41 = arith.addi %iota3A, %add3A_40 : vector<16xi32>
        %min3A = arith.constant 64 : i32
        %min3A_42 = vector.broadcast %min3A : i32 to vector<16xi32>
        %min3A_43 = arith.minsi %add3A_41, %min3A_42 : vector<16xi32>
        %lt3A_44 = arith.constant 1 : i32
        %lt3A_45 = vector.broadcast %lt3A_44 : i32 to vector<16xi32>
        %lt3A_46 = arith.cmpi slt, %min3A_43, %lt3A_45 : vector<16xi32>
        %add3A_47 = arith.constant 12 : i32
        %add3A_48 = vector.broadcast %add3A_47 : i32 to vector<16xi32>
        %add3A_49 = arith.addi %add3A_48, %min3A_43 : vector<16xi32>
        %jit3A = arith.constant 0 : i32
        %broadcast_in_dim3A = vector.broadcast %jit3A : i32 to vector<16xi32>
        %select_n3A = arith.select %lt3A_46, %broadcast_in_dim3A, %add3A_49 : vector<16xi1>, vector<16xi32>
        %gather3A = tpu.vector_load_idx %arg15[%select_n3A] : memref<77xi32, #tpu.memory_space<vmem>>[vector<16xi32>], vector<16xi32>,
        %dma_start3A = arith.constant 0 : i32
        %dma_start3A_50 = arith.constant 0 : i32
        %dma_start3A_51 = tpu.memref_slice %arg2[%dma_start3A, %dma_start3A_50] : memref<49408x768xf32, #tpu.memory_space<hbm>> -> memref<49408x768xf32, #tpu.memory_space<hbm>>
        tpu.enqueue_indirect_dma source(%dma_start3A_51 : memref<49408x768xf32, #tpu.memory_space<hbm>>) target(%arg16 : memref<16x768xf32, #tpu.memory_space<vmem>>) offsets(%gather3A : vector<16xi32>) semaphore(%arg18 : memref<!tpu.dma_semaphore, #tpu.memory_space<semaphore_mem>>)
        %dma_wait3A = arith.constant 0 : i32
        %dma_wait3A_52 = arith.constant 0 : i32
        %dma_wait3A_53 = tpu.memref_slice %arg2[%dma_wait3A, %dma_wait3A_52] : memref<49408x768xf32, #tpu.memory_space<hbm>> -> memref<49408x768xf32, #tpu.memory_space<hbm>>
        tpu.wait_indirect_dma semaphore(%arg18 : memref<!tpu.dma_semaphore, #tpu.memory_space<semaphore_mem>>) src(%dma_wait3A_53 : memref<49408x768xf32, #tpu.memory_space<hbm>>) dst(%arg16 : memref<16x768xf32, #tpu.memory_space<vmem>>)
        %mul3A_54 = arith.constant 6 : i32
        %mul3A_55 = vector.broadcast %mul3A_54 : i32 to vector<16xi32>
        %mul3A_56 = arith.muli %select_n3A, %mul3A_55 : vector<16xi32>
        %add3A_57 = arith.constant 0 : i32
        %add3A_58 = vector.broadcast %add3A_57 : i32 to vector<16xi32>
        %add3A_59 = arith.addi %mul3A_56, %add3A_58 : vector<16xi32>
        %dma_start3A_60 = arith.constant 0 : i32
        %dma_start3A_61 = arith.constant 0 : i32
        %dma_start3A_62 = tpu.memref_slice %arg16[%dma_start3A_60, %dma_start3A_61] : memref<16x768xf32, #tpu.memory_space<vmem>> -> memref<16x128xf32, #tpu.memory_space<vmem>>
        %dma_start3A_63 = arith.constant 0 : i32
        %dma_start3A_64 = arith.constant 0 : i32
        %dma_start3A_65 = tpu.memref_slice %arg11[%dma_start3A_63, %dma_start3A_64] : memref<464x128xf32, #tpu.memory_space<hbm>> -> memref<464x128xf32, #tpu.memory_space<hbm>>
        tpu.enqueue_indirect_dma source(%dma_start3A_62 : memref<16x128xf32, #tpu.memory_space<vmem>>) target(%dma_start3A_65 : memref<464x128xf32, #tpu.memory_space<hbm>>) offsets(%add3A_59 : vector<16xi32>) semaphore(%arg18 : memref<!tpu.dma_semaphore, #tpu.memory_space<semaphore_mem>>)
        %mul3A_66 = arith.constant 6 : i32
        %mul3A_67 = vector.broadcast %mul3A_66 : i32 to vector<16xi32>
        %mul3A_68 = arith.muli %select_n3A, %mul3A_67 : vector<16xi32>
        %add3A_69 = arith.constant 1 : i32
        %add3A_70 = vector.broadcast %add3A_69 : i32 to vector<16xi32>
        %add3A_71 = arith.addi %mul3A_68, %add3A_70 : vector<16xi32>
        %dma_start3A_72 = arith.constant 0 : i32
        %dma_start3A_73 = arith.constant 128 : i32
        %dma_start3A_74 = tpu.memref_slice %arg16[%dma_start3A_72, %dma_start3A_73] : memref<16x768xf32, #tpu.memory_space<vmem>> -> memref<16x128xf32, #tpu.memory_space<vmem>>
        %dma_start3A_75 = arith.constant 0 : i32
        %dma_start3A_76 = arith.constant 0 : i32
        %dma_start3A_77 = tpu.memref_slice %arg11[%dma_start3A_75, %dma_start3A_76] : memref<464x128xf32, #tpu.memory_space<hbm>> -> memref<464x128xf32, #tpu.memory_space<hbm>>
        tpu.enqueue_indirect_dma source(%dma_start3A_74 : memref<16x128xf32, #tpu.memory_space<vmem>>) target(%dma_start3A_77 : memref<464x128xf32, #tpu.memory_space<hbm>>) offsets(%add3A_71 : vector<16xi32>) semaphore(%arg18 : memref<!tpu.dma_semaphore, #tpu.memory_space<semaphore_mem>>)
        %mul3A_78 = arith.constant 6 : i32
        %mul3A_79 = vector.broadcast %mul3A_78 : i32 to vector<16xi32>
        %mul3A_80 = arith.muli %select_n3A, %mul3A_79 : vector<16xi32>
        %add3A_81 = arith.constant 2 : i32
        %add3A_82 = vector.broadcast %add3A_81 : i32 to vector<16xi32>
        %add3A_83 = arith.addi %mul3A_80, %add3A_82 : vector<16xi32>
        %dma_start3A_84 = arith.constant 0 : i32
        %dma_start3A_85 = arith.constant 256 : i32
        %dma_start3A_86 = tpu.memref_slice %arg16[%dma_start3A_84, %dma_start3A_85] : memref<16x768xf32, #tpu.memory_space<vmem>> -> memref<16x128xf32, #tpu.memory_space<vmem>>
        %dma_start3A_87 = arith.constant 0 : i32
        %dma_start3A_88 = arith.constant 0 : i32
        %dma_start3A_89 = tpu.memref_slice %arg11[%dma_start3A_87, %dma_start3A_88] : memref<464x128xf32, #tpu.memory_space<hbm>> -> memref<464x128xf32, #tpu.memory_space<hbm>>
        tpu.enqueue_indirect_dma source(%dma_start3A_86 : memref<16x128xf32, #tpu.memory_space<vmem>>) target(%dma_start3A_89 : memref<464x128xf32, #tpu.memory_space<hbm>>) offsets(%add3A_83 : vector<16xi32>) semaphore(%arg18 : memref<!tpu.dma_semaphore, #tpu.memory_space<semaphore_mem>>)
        %mul3A_90 = arith.constant 6 : i32
        %mul3A_91 = vector.broadcast %mul3A_90 : i32 to vector<16xi32>
        %mul3A_92 = arith.muli %select_n3A, %mul3A_91 : vector<16xi32>
        %add3A_93 = arith.constant 3 : i32
        %add3A_94 = vector.broadcast %add3A_93 : i32 to vector<16xi32>
        %add3A_95 = arith.addi %mul3A_92, %add3A_94 : vector<16xi32>
        %dma_start3A_96 = arith.constant 0 : i32
        %dma_start3A_97 = arith.constant 384 : i32
        %dma_start3A_98 = tpu.memref_slice %arg16[%dma_start3A_96, %dma_start3A_97] : memref<16x768xf32, #tpu.memory_space<vmem>> -> memref<16x128xf32, #tpu.memory_space<vmem>>
        %dma_start3A_99 = arith.constant 0 : i32
        %dma_start3A_100 = arith.constant 0 : i32
        %dma_start3A_101 = tpu.memref_slice %arg11[%dma_start3A_99, %dma_start3A_100] : memref<464x128xf32, #tpu.memory_space<hbm>> -> memref<464x128xf32, #tpu.memory_space<hbm>>
        tpu.enqueue_indirect_dma source(%dma_start3A_98 : memref<16x128xf32, #tpu.memory_space<vmem>>) target(%dma_start3A_101 : memref<464x128xf32, #tpu.memory_space<hbm>>) offsets(%add3A_95 : vector<16xi32>) semaphore(%arg18 : memref<!tpu.dma_semaphore, #tpu.memory_space<semaphore_mem>>)
        %mul3A_102 = arith.constant 6 : i32
        %mul3A_103 = vector.broadcast %mul3A_102 : i32 to vector<16xi32>
        %mul3A_104 = arith.muli %select_n3A, %mul3A_103 : vector<16xi32>
        %add3A_105 = arith.constant 4 : i32
        %add3A_106 = vector.broadcast %add3A_105 : i32 to vector<16xi32>
        %add3A_107 = arith.addi %mul3A_104, %add3A_106 : vector<16xi32>
        %dma_start3A_108 = arith.constant 0 : i32
        %dma_start3A_109 = arith.constant 512 : i32
        %dma_start3A_110 = tpu.memref_slice %arg16[%dma_start3A_108, %dma_start3A_109] : memref<16x768xf32, #tpu.memory_space<vmem>> -> memref<16x128xf32, #tpu.memory_space<vmem>>
        %dma_start3A_111 = arith.constant 0 : i32
        %dma_start3A_112 = arith.constant 0 : i32
        %dma_start3A_113 = tpu.memref_slice %arg11[%dma_start3A_111, %dma_start3A_112] : memref<464x128xf32, #tpu.memory_space<hbm>> -> memref<464x128xf32, #tpu.memory_space<hbm>>
        tpu.enqueue_indirect_dma source(%dma_start3A_110 : memref<16x128xf32, #tpu.memory_space<vmem>>) target(%dma_start3A_113 : memref<464x128xf32, #tpu.memory_space<hbm>>) offsets(%add3A_107 : vector<16xi32>) semaphore(%arg18 : memref<!tpu.dma_semaphore, #tpu.memory_space<semaphore_mem>>)
        %mul3A_114 = arith.constant 6 : i32
        %mul3A_115 = vector.broadcast %mul3A_114 : i32 to vector<16xi32>
        %mul3A_116 = arith.muli %select_n3A, %mul3A_115 : vector<16xi32>
        %add3A_117 = arith.constant 5 : i32
        %add3A_118 = vector.broadcast %add3A_117 : i32 to vector<16xi32>
        %add3A_119 = arith.addi %mul3A_116, %add3A_118 : vector<16xi32>
        %dma_start3A_120 = arith.constant 0 : i32
        %dma_start3A_121 = arith.constant 640 : i32
        %dma_start3A_122 = tpu.memref_slice %arg16[%dma_start3A_120, %dma_start3A_121] : memref<16x768xf32, #tpu.memory_space<vmem>> -> memref<16x128xf32, #tpu.memory_space<vmem>>
        %dma_start3A_123 = arith.constant 0 : i32
        %dma_start3A_124 = arith.constant 0 : i32
        %dma_start3A_125 = tpu.memref_slice %arg11[%dma_start3A_123, %dma_start3A_124] : memref<464x128xf32, #tpu.memory_space<hbm>> -> memref<464x128xf32, #tpu.memory_space<hbm>>
        tpu.enqueue_indirect_dma source(%dma_start3A_122 : memref<16x128xf32, #tpu.memory_space<vmem>>) target(%dma_start3A_125 : memref<464x128xf32, #tpu.memory_space<hbm>>) offsets(%add3A_119 : vector<16xi32>) semaphore(%arg18 : memref<!tpu.dma_semaphore, #tpu.memory_space<semaphore_mem>>)
        %dma_wait3A_126 = arith.constant 0 : i32
        %dma_wait3A_127 = arith.constant 0 : i32
        %dma_wait3A_128 = tpu.memref_slice %arg16[%dma_wait3A_126, %dma_wait3A_127] : memref<16x768xf32, #tpu.memory_space<vmem>> -> memref<16x128xf32, #tpu.memory_space<vmem>>
        %dma_wait3A_129 = arith.constant 0 : i32
        %dma_wait3A_130 = arith.constant 0 : i32
        %dma_wait3A_131 = tpu.memref_slice %arg11[%dma_wait3A_129, %dma_wait3A_130] : memref<464x128xf32, #tpu.memory_space<hbm>> -> memref<464x128xf32, #tpu.memory_space<hbm>>
        tpu.wait_indirect_dma semaphore(%arg18 : memref<!tpu.dma_semaphore, #tpu.memory_space<semaphore_mem>>) src(%dma_wait3A_128 : memref<16x128xf32, #tpu.memory_space<vmem>>) dst(%dma_wait3A_131 : memref<464x128xf32, #tpu.memory_space<hbm>>)
        %dma_wait3A_132 = arith.constant 0 : i32
        %dma_wait3A_133 = arith.constant 128 : i32
        %dma_wait3A_134 = tpu.memref_slice %arg16[%dma_wait3A_132, %dma_wait3A_133] : memref<16x768xf32, #tpu.memory_space<vmem>> -> memref<16x128xf32, #tpu.memory_space<vmem>>
        %dma_wait3A_135 = arith.constant 0 : i32
        %dma_wait3A_136 = arith.constant 0 : i32
        %dma_wait3A_137 = tpu.memref_slice %arg11[%dma_wait3A_135, %dma_wait3A_136] : memref<464x128xf32, #tpu.memory_space<hbm>> -> memref<464x128xf32, #tpu.memory_space<hbm>>
        tpu.wait_indirect_dma semaphore(%arg18 : memref<!tpu.dma_semaphore, #tpu.memory_space<semaphore_mem>>) src(%dma_wait3A_134 : memref<16x128xf32, #tpu.memory_space<vmem>>) dst(%dma_wait3A_137 : memref<464x128xf32, #tpu.memory_space<hbm>>)
        %dma_wait3A_138 = arith.constant 0 : i32
        %dma_wait3A_139 = arith.constant 256 : i32
        %dma_wait3A_140 = tpu.memref_slice %arg16[%dma_wait3A_138, %dma_wait3A_139] : memref<16x768xf32, #tpu.memory_space<vmem>> -> memref<16x128xf32, #tpu.memory_space<vmem>>
        %dma_wait3A_141 = arith.constant 0 : i32
        %dma_wait3A_142 = arith.constant 0 : i32
        %dma_wait3A_143 = tpu.memref_slice %arg11[%dma_wait3A_141, %dma_wait3A_142] : memref<464x128xf32, #tpu.memory_space<hbm>> -> memref<464x128xf32, #tpu.memory_space<hbm>>
        tpu.wait_indirect_dma semaphore(%arg18 : memref<!tpu.dma_semaphore, #tpu.memory_space<semaphore_mem>>) src(%dma_wait3A_140 : memref<16x128xf32, #tpu.memory_space<vmem>>) dst(%dma_wait3A_143 : memref<464x128xf32, #tpu.memory_space<hbm>>)
        %dma_wait3A_144 = arith.constant 0 : i32
        %dma_wait3A_145 = arith.constant 384 : i32
        %dma_wait3A_146 = tpu.memref_slice %arg16[%dma_wait3A_144, %dma_wait3A_145] : memref<16x768xf32, #tpu.memory_space<vmem>> -> memref<16x128xf32, #tpu.memory_space<vmem>>
        %dma_wait3A_147 = arith.constant 0 : i32
        %dma_wait3A_148 = arith.constant 0 : i32
        %dma_wait3A_149 = tpu.memref_slice %arg11[%dma_wait3A_147, %dma_wait3A_148] : memref<464x128xf32, #tpu.memory_space<hbm>> -> memref<464x128xf32, #tpu.memory_space<hbm>>
        tpu.wait_indirect_dma semaphore(%arg18 : memref<!tpu.dma_semaphore, #tpu.memory_space<semaphore_mem>>) src(%dma_wait3A_146 : memref<16x128xf32, #tpu.memory_space<vmem>>) dst(%dma_wait3A_149 : memref<464x128xf32, #tpu.memory_space<hbm>>)
        %dma_wait3A_150 = arith.constant 0 : i32
        %dma_wait3A_151 = arith.constant 512 : i32
        %dma_wait3A_152 = tpu.memref_slice %arg16[%dma_wait3A_150, %dma_wait3A_151] : memref<16x768xf32, #tpu.memory_space<vmem>> -> memref<16x128xf32, #tpu.memory_space<vmem>>
        %dma_wait3A_153 = arith.constant 0 : i32
        %dma_wait3A_154 = arith.constant 0 : i32
        %dma_wait3A_155 = tpu.memref_slice %arg11[%dma_wait3A_153, %dma_wait3A_154] : memref<464x128xf32, #tpu.memory_space<hbm>> -> memref<464x128xf32, #tpu.memory_space<hbm>>
        tpu.wait_indirect_dma semaphore(%arg18 : memref<!tpu.dma_semaphore, #tpu.memory_space<semaphore_mem>>) src(%dma_wait3A_152 : memref<16x128xf32, #tpu.memory_space<vmem>>) dst(%dma_wait3A_155 : memref<464x128xf32, #tpu.memory_space<hbm>>)
        %dma_wait3A_156 = arith.constant 0 : i32
        %dma_wait3A_157 = arith.constant 640 : i32
        %dma_wait3A_158 = tpu.memref_slice %arg16[%dma_wait3A_156, %dma_wait3A_157] : memref<16x768xf32, #tpu.memory_space<vmem>> -> memref<16x128xf32, #tpu.memory_space<vmem>>
        %dma_wait3A_159 = arith.constant 0 : i32
        %dma_wait3A_160 = arith.constant 0 : i32
        %dma_wait3A_161 = tpu.memref_slice %arg11[%dma_wait3A_159, %dma_wait3A_160] : memref<464x128xf32, #tpu.memory_space<hbm>> -> memref<464x128xf32, #tpu.memory_space<hbm>>
        tpu.wait_indirect_dma semaphore(%arg18 : memref<!tpu.dma_semaphore, #tpu.memory_space<semaphore_mem>>) src(%dma_wait3A_158 : memref<16x128xf32, #tpu.memory_space<vmem>>) dst(%dma_wait3A_161 : memref<464x128xf32, #tpu.memory_space<hbm>>)
      } else {
      }
      %eq3A = arith.constant 5 : i32
      %eq3A_34 = arith.cmpi eq, %sub3A_28, %eq3A : i32
      %convert_element_type3A_35 = arith.extui %eq3A_34 : i1 to i32
      %cond3A_36 = arith.constant 0 : i32
      %cond3A_37 = arith.cmpi ne, %convert_element_type3A_35, %cond3A_36 : i32
      scf.if %cond3A_37 {
        "tpu.region"() ({
          %run_scoped3A = tpu.sem_alloc : memref<!tpu.dma_semaphore, #tpu.memory_space<semaphore_mem>>
          tpu.enqueue_dma source(%arg3 : memref<72x128xf32, #tpu.memory_space<hbm>>) target(%arg17 : memref<72x128xf32, #tpu.memory_space<vmem>>) target_semaphore(%run_scoped3A : memref<!tpu.dma_semaphore, #tpu.memory_space<semaphore_mem>>)
          tpu.wait_dma2 semaphore(%run_scoped3A : memref<!tpu.dma_semaphore, #tpu.memory_space<semaphore_mem>>) src(%arg3 : memref<72x128xf32, #tpu.memory_space<hbm>>) dst(%arg17 : memref<72x128xf32, #tpu.memory_space<vmem>>)
          tpu.yield
        }) : () -> ()
        %add3A_38 = arith.constant 6 : i32
        %add3A_39 = vector.broadcast %add3A_38 : i32 to vector<16xi32>
        %add3A_40 = arith.addi %add3A_39, %iota3A : vector<16xi32>
        %dma_start3A = arith.constant 0 : i32
        %dma_start3A_41 = arith.constant 0 : i32
        %dma_start3A_42 = tpu.memref_slice %arg17[%dma_start3A, %dma_start3A_41] : memref<72x128xf32, #tpu.memory_space<vmem>> -> memref<16x128xf32, #tpu.memory_space<vmem>>
        %dma_start3A_43 = arith.constant 0 : i32
        %dma_start3A_44 = arith.constant 0 : i32
        %dma_start3A_45 = tpu.memref_slice %arg11[%dma_start3A_43, %dma_start3A_44] : memref<464x128xf32, #tpu.memory_space<hbm>> -> memref<464x128xf32, #tpu.memory_space<hbm>>
        tpu.enqueue_indirect_dma source(%dma_start3A_42 : memref<16x128xf32, #tpu.memory_space<vmem>>) target(%dma_start3A_45 : memref<464x128xf32, #tpu.memory_space<hbm>>) offsets(%add3A_40 : vector<16xi32>) semaphore(%arg18 : memref<!tpu.dma_semaphore, #tpu.memory_space<semaphore_mem>>)
        %add3A_46 = arith.constant 22 : i32
        %add3A_47 = vector.broadcast %add3A_46 : i32 to vector<16xi32>
        %add3A_48 = arith.addi %add3A_47, %iota3A : vector<16xi32>
        %dma_start3A_49 = arith.constant 16 : i32
        %dma_start3A_50 = arith.constant 0 : i32
        %dma_start3A_51 = tpu.memref_slice %arg17[%dma_start3A_49, %dma_start3A_50] : memref<72x128xf32, #tpu.memory_space<vmem>> -> memref<16x128xf32, #tpu.memory_space<vmem>>
        %dma_start3A_52 = arith.constant 0 : i32
        %dma_start3A_53 = arith.constant 0 : i32
        %dma_start3A_54 = tpu.memref_slice %arg11[%dma_start3A_52, %dma_start3A_53] : memref<464x128xf32, #tpu.memory_space<hbm>> -> memref<464x128xf32, #tpu.memory_space<hbm>>
        tpu.enqueue_indirect_dma source(%dma_start3A_51 : memref<16x128xf32, #tpu.memory_space<vmem>>) target(%dma_start3A_54 : memref<464x128xf32, #tpu.memory_space<hbm>>) offsets(%add3A_48 : vector<16xi32>) semaphore(%arg18 : memref<!tpu.dma_semaphore, #tpu.memory_space<semaphore_mem>>)
        %add3A_55 = arith.constant 38 : i32
        %add3A_56 = vector.broadcast %add3A_55 : i32 to vector<16xi32>
        %add3A_57 = arith.addi %add3A_56, %iota3A : vector<16xi32>
        %dma_start3A_58 = arith.constant 32 : i32
        %dma_start3A_59 = arith.constant 0 : i32
        %dma_start3A_60 = tpu.memref_slice %arg17[%dma_start3A_58, %dma_start3A_59] : memref<72x128xf32, #tpu.memory_space<vmem>> -> memref<16x128xf32, #tpu.memory_space<vmem>>
        %dma_start3A_61 = arith.constant 0 : i32
        %dma_start3A_62 = arith.constant 0 : i32
        %dma_start3A_63 = tpu.memref_slice %arg11[%dma_start3A_61, %dma_start3A_62] : memref<464x128xf32, #tpu.memory_space<hbm>> -> memref<464x128xf32, #tpu.memory_space<hbm>>
        tpu.enqueue_indirect_dma source(%dma_start3A_60 : memref<16x128xf32, #tpu.memory_space<vmem>>) target(%dma_start3A_63 : memref<464x128xf32, #tpu.memory_space<hbm>>) offsets(%add3A_57 : vector<16xi32>) semaphore(%arg18 : memref<!tpu.dma_semaphore, #tpu.memory_space<semaphore_mem>>)
        %add3A_64 = arith.constant 54 : i32
        %add3A_65 = vector.broadcast %add3A_64 : i32 to vector<16xi32>
        %add3A_66 = arith.addi %add3A_65, %iota3A : vector<16xi32>
        %dma_start3A_67 = arith.constant 48 : i32
        %dma_start3A_68 = arith.constant 0 : i32
        %dma_start3A_69 = tpu.memref_slice %arg17[%dma_start3A_67, %dma_start3A_68] : memref<72x128xf32, #tpu.memory_space<vmem>> -> memref<16x128xf32, #tpu.memory_space<vmem>>
        %dma_start3A_70 = arith.constant 0 : i32
        %dma_start3A_71 = arith.constant 0 : i32
        %dma_start3A_72 = tpu.memref_slice %arg11[%dma_start3A_70, %dma_start3A_71] : memref<464x128xf32, #tpu.memory_space<hbm>> -> memref<464x128xf32, #tpu.memory_space<hbm>>
        tpu.enqueue_indirect_dma source(%dma_start3A_69 : memref<16x128xf32, #tpu.memory_space<vmem>>) target(%dma_start3A_72 : memref<464x128xf32, #tpu.memory_space<hbm>>) offsets(%add3A_66 : vector<16xi32>) semaphore(%arg18 : memref<!tpu.dma_semaphore, #tpu.memory_space<semaphore_mem>>)
        %add3A_73 = arith.constant 62 : i32
        %add3A_74 = vector.broadcast %add3A_73 : i32 to vector<16xi32>
        %add3A_75 = arith.addi %add3A_74, %iota3A : vector<16xi32>
        %dma_start3A_76 = arith.constant 56 : i32
        %dma_start3A_77 = arith.constant 0 : i32
        %dma_start3A_78 = tpu.memref_slice %arg17[%dma_start3A_76, %dma_start3A_77] : memref<72x128xf32, #tpu.memory_space<vmem>> -> memref<16x128xf32, #tpu.memory_space<vmem>>
        %dma_start3A_79 = arith.constant 0 : i32
        %dma_start3A_80 = arith.constant 0 : i32
        %dma_start3A_81 = tpu.memref_slice %arg11[%dma_start3A_79, %dma_start3A_80] : memref<464x128xf32, #tpu.memory_space<hbm>> -> memref<464x128xf32, #tpu.memory_space<hbm>>
        tpu.enqueue_indirect_dma source(%dma_start3A_78 : memref<16x128xf32, #tpu.memory_space<vmem>>) target(%dma_start3A_81 : memref<464x128xf32, #tpu.memory_space<hbm>>) offsets(%add3A_75 : vector<16xi32>) semaphore(%arg18 : memref<!tpu.dma_semaphore, #tpu.memory_space<semaphore_mem>>)
        %dma_wait3A = arith.constant 0 : i32
        %dma_wait3A_82 = arith.constant 0 : i32
        %dma_wait3A_83 = tpu.memref_slice %arg17[%dma_wait3A, %dma_wait3A_82] : memref<72x128xf32, #tpu.memory_space<vmem>> -> memref<16x128xf32, #tpu.memory_space<vmem>>
        %dma_wait3A_84 = arith.constant 0 : i32
        %dma_wait3A_85 = arith.constant 0 : i32
        %dma_wait3A_86 = tpu.memref_slice %arg11[%dma_wait3A_84, %dma_wait3A_85] : memref<464x128xf32, #tpu.memory_space<hbm>> -> memref<464x128xf32, #tpu.memory_space<hbm>>
        tpu.wait_indirect_dma semaphore(%arg18 : memref<!tpu.dma_semaphore, #tpu.memory_space<semaphore_mem>>) src(%dma_wait3A_83 : memref<16x128xf32, #tpu.memory_space<vmem>>) dst(%dma_wait3A_86 : memref<464x128xf32, #tpu.memory_space<hbm>>)
        %dma_wait3A_87 = arith.constant 16 : i32
        %dma_wait3A_88 = arith.constant 0 : i32
        %dma_wait3A_89 = tpu.memref_slice %arg17[%dma_wait3A_87, %dma_wait3A_88] : memref<72x128xf32, #tpu.memory_space<vmem>> -> memref<16x128xf32, #tpu.memory_space<vmem>>
        %dma_wait3A_90 = arith.constant 0 : i32
        %dma_wait3A_91 = arith.constant 0 : i32
        %dma_wait3A_92 = tpu.memref_slice %arg11[%dma_wait3A_90, %dma_wait3A_91] : memref<464x128xf32, #tpu.memory_space<hbm>> -> memref<464x128xf32, #tpu.memory_space<hbm>>
        tpu.wait_indirect_dma semaphore(%arg18 : memref<!tpu.dma_semaphore, #tpu.memory_space<semaphore_mem>>) src(%dma_wait3A_89 : memref<16x128xf32, #tpu.memory_space<vmem>>) dst(%dma_wait3A_92 : memref<464x128xf32, #tpu.memory_space<hbm>>)
        %dma_wait3A_93 = arith.constant 32 : i32
        %dma_wait3A_94 = arith.constant 0 : i32
        %dma_wait3A_95 = tpu.memref_slice %arg17[%dma_wait3A_93, %dma_wait3A_94] : memref<72x128xf32, #tpu.memory_space<vmem>> -> memref<16x128xf32, #tpu.memory_space<vmem>>
        %dma_wait3A_96 = arith.constant 0 : i32
        %dma_wait3A_97 = arith.constant 0 : i32
        %dma_wait3A_98 = tpu.memref_slice %arg11[%dma_wait3A_96, %dma_wait3A_97] : memref<464x128xf32, #tpu.memory_space<hbm>> -> memref<464x128xf32, #tpu.memory_space<hbm>>
        tpu.wait_indirect_dma semaphore(%arg18 : memref<!tpu.dma_semaphore, #tpu.memory_space<semaphore_mem>>) src(%dma_wait3A_95 : memref<16x128xf32, #tpu.memory_space<vmem>>) dst(%dma_wait3A_98 : memref<464x128xf32, #tpu.memory_space<hbm>>)
        %dma_wait3A_99 = arith.constant 48 : i32
        %dma_wait3A_100 = arith.constant 0 : i32
        %dma_wait3A_101 = tpu.memref_slice %arg17[%dma_wait3A_99, %dma_wait3A_100] : memref<72x128xf32, #tpu.memory_space<vmem>> -> memref<16x128xf32, #tpu.memory_space<vmem>>
        %dma_wait3A_102 = arith.constant 0 : i32
        %dma_wait3A_103 = arith.constant 0 : i32
        %dma_wait3A_104 = tpu.memref_slice %arg11[%dma_wait3A_102, %dma_wait3A_103] : memref<464x128xf32, #tpu.memory_space<hbm>> -> memref<464x128xf32, #tpu.memory_space<hbm>>
        tpu.wait_indirect_dma semaphore(%arg18 : memref<!tpu.dma_semaphore, #tpu.memory_space<semaphore_mem>>) src(%dma_wait3A_101 : memref<16x128xf32, #tpu.memory_space<vmem>>) dst(%dma_wait3A_104 : memref<464x128xf32, #tpu.memory_space<hbm>>)
        %dma_wait3A_105 = arith.constant 56 : i32
        %dma_wait3A_106 = arith.constant 0 : i32
        %dma_wait3A_107 = tpu.memref_slice %arg17[%dma_wait3A_105, %dma_wait3A_106] : memref<72x128xf32, #tpu.memory_space<vmem>> -> memref<16x128xf32, #tpu.memory_space<vmem>>
        %dma_wait3A_108 = arith.constant 0 : i32
        %dma_wait3A_109 = arith.constant 0 : i32
        %dma_wait3A_110 = tpu.memref_slice %arg11[%dma_wait3A_108, %dma_wait3A_109] : memref<464x128xf32, #tpu.memory_space<hbm>> -> memref<464x128xf32, #tpu.memory_space<hbm>>
        tpu.wait_indirect_dma semaphore(%arg18 : memref<!tpu.dma_semaphore, #tpu.memory_space<semaphore_mem>>) src(%dma_wait3A_107 : memref<16x128xf32, #tpu.memory_space<vmem>>) dst(%dma_wait3A_110 : memref<464x128xf32, #tpu.memory_space<hbm>>)
      } else {
      }
    } else {
    }
    %ge3A_4 = arith.constant 6 : i32
    %ge3A_5 = arith.cmpi sge, %add3A, %ge3A_4 : i32
    %lt3A_6 = arith.constant 12 : i32
    %lt3A_7 = arith.cmpi slt, %add3A, %lt3A_6 : i32
    %and3A_8 = arith.andi %ge3A_5, %lt3A_7 : i1
    %convert_element_type3A_9 = arith.extui %and3A_8 : i1 to i32
    %cond3A_10 = arith.constant 0 : i32
    %cond3A_11 = arith.cmpi ne, %convert_element_type3A_9, %cond3A_10 : i32
    scf.if %cond3A_11 {
      %sub3A = arith.constant 6 : i32
      %sub3A_28 = arith.subi %add3A, %sub3A : i32
      %lt3A_29 = arith.constant 4 : i32
      %lt3A_30 = arith.cmpi slt, %sub3A_28, %lt3A_29 : i32
      %convert_element_type3A_31 = arith.extui %lt3A_30 : i1 to i32
      %cond3A_32 = arith.constant 0 : i32
      %cond3A_33 = arith.cmpi ne, %convert_element_type3A_31, %cond3A_32 : i32
      scf.if %cond3A_33 {
        "tpu.region"() ({
          %run_scoped3A = tpu.sem_alloc : memref<!tpu.dma_semaphore, #tpu.memory_space<semaphore_mem>>
          tpu.enqueue_dma source(%arg8 : memref<77xi32, #tpu.memory_space<hbm>>) target(%arg15 : memref<77xi32, #tpu.memory_space<vmem>>) target_semaphore(%run_scoped3A : memref<!tpu.dma_semaphore, #tpu.memory_space<semaphore_mem>>)
          tpu.wait_dma2 semaphore(%run_scoped3A : memref<!tpu.dma_semaphore, #tpu.memory_space<semaphore_mem>>) src(%arg8 : memref<77xi32, #tpu.memory_space<hbm>>) dst(%arg15 : memref<77xi32, #tpu.memory_space<vmem>>)
          tpu.yield
        }) : () -> ()
        %mul3A_43 = arith.constant 16 : i32
        %mul3A_44 = arith.muli %sub3A_28, %mul3A_43 : i32
        %add3A_45 = vector.broadcast %mul3A_44 : i32 to vector<16xi32>
        %add3A_46 = arith.addi %iota3A, %add3A_45 : vector<16xi32>
        %min3A = arith.constant 52 : i32
        %min3A_47 = vector.broadcast %min3A : i32 to vector<16xi32>
        %min3A_48 = arith.minsi %add3A_46, %min3A_47 : vector<16xi32>
        %lt3A_49 = arith.constant 1 : i32
        %lt3A_50 = vector.broadcast %lt3A_49 : i32 to vector<16xi32>
        %lt3A_51 = arith.cmpi slt, %min3A_48, %lt3A_50 : vector<16xi32>
        %add3A_52 = arith.constant 24 : i32
        %add3A_53 = vector.broadcast %add3A_52 : i32 to vector<16xi32>
        %add3A_54 = arith.addi %add3A_53, %min3A_48 : vector<16xi32>
        %jit3A = arith.constant 0 : i32
        %broadcast_in_dim3A = vector.broadcast %jit3A : i32 to vector<16xi32>
        %select_n3A = arith.select %lt3A_51, %broadcast_in_dim3A, %add3A_54 : vector<16xi1>, vector<16xi32>
        %gather3A = tpu.vector_load_idx %arg15[%select_n3A] : memref<77xi32, #tpu.memory_space<vmem>>[vector<16xi32>], vector<16xi32>,
        %dma_start3A = arith.constant 0 : i32
        %dma_start3A_55 = arith.constant 0 : i32
        %dma_start3A_56 = tpu.memref_slice %arg2[%dma_start3A, %dma_start3A_55] : memref<49408x768xf32, #tpu.memory_space<hbm>> -> memref<49408x768xf32, #tpu.memory_space<hbm>>
        tpu.enqueue_indirect_dma source(%dma_start3A_56 : memref<49408x768xf32, #tpu.memory_space<hbm>>) target(%arg16 : memref<16x768xf32, #tpu.memory_space<vmem>>) offsets(%gather3A : vector<16xi32>) semaphore(%arg18 : memref<!tpu.dma_semaphore, #tpu.memory_space<semaphore_mem>>)
        %dma_wait3A = arith.constant 0 : i32
        %dma_wait3A_57 = arith.constant 0 : i32
        %dma_wait3A_58 = tpu.memref_slice %arg2[%dma_wait3A, %dma_wait3A_57] : memref<49408x768xf32, #tpu.memory_space<hbm>> -> memref<49408x768xf32, #tpu.memory_space<hbm>>
        tpu.wait_indirect_dma semaphore(%arg18 : memref<!tpu.dma_semaphore, #tpu.memory_space<semaphore_mem>>) src(%dma_wait3A_58 : memref<49408x768xf32, #tpu.memory_space<hbm>>) dst(%arg16 : memref<16x768xf32, #tpu.memory_space<vmem>>)
        %mul3A_59 = arith.constant 6 : i32
        %mul3A_60 = vector.broadcast %mul3A_59 : i32 to vector<16xi32>
        %mul3A_61 = arith.muli %select_n3A, %mul3A_60 : vector<16xi32>
        %add3A_62 = arith.constant 0 : i32
        %add3A_63 = vector.broadcast %add3A_62 : i32 to vector<16xi32>
        %add3A_64 = arith.addi %mul3A_61, %add3A_63 : vector<16xi32>
        %dma_start3A_65 = arith.constant 0 : i32
        %dma_start3A_66 = arith.constant 0 : i32
        %dma_start3A_67 = tpu.memref_slice %arg16[%dma_start3A_65, %dma_start3A_66] : memref<16x768xf32, #tpu.memory_space<vmem>> -> memref<16x128xf32, #tpu.memory_space<vmem>>
        %dma_start3A_68 = arith.constant 0 : i32
        %dma_start3A_69 = arith.constant 0 : i32
        %dma_start3A_70 = tpu.memref_slice %arg12[%dma_start3A_68, %dma_start3A_69] : memref<464x128xf32, #tpu.memory_space<hbm>> -> memref<464x128xf32, #tpu.memory_space<hbm>>
        tpu.enqueue_indirect_dma source(%dma_start3A_67 : memref<16x128xf32, #tpu.memory_space<vmem>>) target(%dma_start3A_70 : memref<464x128xf32, #tpu.memory_space<hbm>>) offsets(%add3A_64 : vector<16xi32>) semaphore(%arg18 : memref<!tpu.dma_semaphore, #tpu.memory_space<semaphore_mem>>)
        %mul3A_71 = arith.constant 6 : i32
        %mul3A_72 = vector.broadcast %mul3A_71 : i32 to vector<16xi32>
        %mul3A_73 = arith.muli %select_n3A, %mul3A_72 : vector<16xi32>
        %add3A_74 = arith.constant 1 : i32
        %add3A_75 = vector.broadcast %add3A_74 : i32 to vector<16xi32>
        %add3A_76 = arith.addi %mul3A_73, %add3A_75 : vector<16xi32>
        %dma_start3A_77 = arith.constant 0 : i32
        %dma_start3A_78 = arith.constant 128 : i32
        %dma_start3A_79 = tpu.memref_slice %arg16[%dma_start3A_77, %dma_start3A_78] : memref<16x768xf32, #tpu.memory_space<vmem>> -> memref<16x128xf32, #tpu.memory_space<vmem>>
        %dma_start3A_80 = arith.constant 0 : i32
        %dma_start3A_81 = arith.constant 0 : i32
        %dma_start3A_82 = tpu.memref_slice %arg12[%dma_start3A_80, %dma_start3A_81] : memref<464x128xf32, #tpu.memory_space<hbm>> -> memref<464x128xf32, #tpu.memory_space<hbm>>
        tpu.enqueue_indirect_dma source(%dma_start3A_79 : memref<16x128xf32, #tpu.memory_space<vmem>>) target(%dma_start3A_82 : memref<464x128xf32, #tpu.memory_space<hbm>>) offsets(%add3A_76 : vector<16xi32>) semaphore(%arg18 : memref<!tpu.dma_semaphore, #tpu.memory_space<semaphore_mem>>)
        %mul3A_83 = arith.constant 6 : i32
        %mul3A_84 = vector.broadcast %mul3A_83 : i32 to vector<16xi32>
        %mul3A_85 = arith.muli %select_n3A, %mul3A_84 : vector<16xi32>
        %add3A_86 = arith.constant 2 : i32
        %add3A_87 = vector.broadcast %add3A_86 : i32 to vector<16xi32>
        %add3A_88 = arith.addi %mul3A_85, %add3A_87 : vector<16xi32>
        %dma_start3A_89 = arith.constant 0 : i32
        %dma_start3A_90 = arith.constant 256 : i32
        %dma_start3A_91 = tpu.memref_slice %arg16[%dma_start3A_89, %dma_start3A_90] : memref<16x768xf32, #tpu.memory_space<vmem>> -> memref<16x128xf32, #tpu.memory_space<vmem>>
        %dma_start3A_92 = arith.constant 0 : i32
        %dma_start3A_93 = arith.constant 0 : i32
        %dma_start3A_94 = tpu.memref_slice %arg12[%dma_start3A_92, %dma_start3A_93] : memref<464x128xf32, #tpu.memory_space<hbm>> -> memref<464x128xf32, #tpu.memory_space<hbm>>
        tpu.enqueue_indirect_dma source(%dma_start3A_91 : memref<16x128xf32, #tpu.memory_space<vmem>>) target(%dma_start3A_94 : memref<464x128xf32, #tpu.memory_space<hbm>>) offsets(%add3A_88 : vector<16xi32>) semaphore(%arg18 : memref<!tpu.dma_semaphore, #tpu.memory_space<semaphore_mem>>)
        %mul3A_95 = arith.constant 6 : i32
        %mul3A_96 = vector.broadcast %mul3A_95 : i32 to vector<16xi32>
        %mul3A_97 = arith.muli %select_n3A, %mul3A_96 : vector<16xi32>
        %add3A_98 = arith.constant 3 : i32
        %add3A_99 = vector.broadcast %add3A_98 : i32 to vector<16xi32>
        %add3A_100 = arith.addi %mul3A_97, %add3A_99 : vector<16xi32>
        %dma_start3A_101 = arith.constant 0 : i32
        %dma_start3A_102 = arith.constant 384 : i32
        %dma_start3A_103 = tpu.memref_slice %arg16[%dma_start3A_101, %dma_start3A_102] : memref<16x768xf32, #tpu.memory_space<vmem>> -> memref<16x128xf32, #tpu.memory_space<vmem>>
        %dma_start3A_104 = arith.constant 0 : i32
        %dma_start3A_105 = arith.constant 0 : i32
        %dma_start3A_106 = tpu.memref_slice %arg12[%dma_start3A_104, %dma_start3A_105] : memref<464x128xf32, #tpu.memory_space<hbm>> -> memref<464x128xf32, #tpu.memory_space<hbm>>
        tpu.enqueue_indirect_dma source(%dma_start3A_103 : memref<16x128xf32, #tpu.memory_space<vmem>>) target(%dma_start3A_106 : memref<464x128xf32, #tpu.memory_space<hbm>>) offsets(%add3A_100 : vector<16xi32>) semaphore(%arg18 : memref<!tpu.dma_semaphore, #tpu.memory_space<semaphore_mem>>)
        %mul3A_107 = arith.constant 6 : i32
        %mul3A_108 = vector.broadcast %mul3A_107 : i32 to vector<16xi32>
        %mul3A_109 = arith.muli %select_n3A, %mul3A_108 : vector<16xi32>
        %add3A_110 = arith.constant 4 : i32
        %add3A_111 = vector.broadcast %add3A_110 : i32 to vector<16xi32>
        %add3A_112 = arith.addi %mul3A_109, %add3A_111 : vector<16xi32>
        %dma_start3A_113 = arith.constant 0 : i32
        %dma_start3A_114 = arith.constant 512 : i32
        %dma_start3A_115 = tpu.memref_slice %arg16[%dma_start3A_113, %dma_start3A_114] : memref<16x768xf32, #tpu.memory_space<vmem>> -> memref<16x128xf32, #tpu.memory_space<vmem>>
        %dma_start3A_116 = arith.constant 0 : i32
        %dma_start3A_117 = arith.constant 0 : i32
        %dma_start3A_118 = tpu.memref_slice %arg12[%dma_start3A_116, %dma_start3A_117] : memref<464x128xf32, #tpu.memory_space<hbm>> -> memref<464x128xf32, #tpu.memory_space<hbm>>
        tpu.enqueue_indirect_dma source(%dma_start3A_115 : memref<16x128xf32, #tpu.memory_space<vmem>>) target(%dma_start3A_118 : memref<464x128xf32, #tpu.memory_space<hbm>>) offsets(%add3A_112 : vector<16xi32>) semaphore(%arg18 : memref<!tpu.dma_semaphore, #tpu.memory_space<semaphore_mem>>)
        %mul3A_119 = arith.constant 6 : i32
        %mul3A_120 = vector.broadcast %mul3A_119 : i32 to vector<16xi32>
        %mul3A_121 = arith.muli %select_n3A, %mul3A_120 : vector<16xi32>
        %add3A_122 = arith.constant 5 : i32
        %add3A_123 = vector.broadcast %add3A_122 : i32 to vector<16xi32>
        %add3A_124 = arith.addi %mul3A_121, %add3A_123 : vector<16xi32>
        %dma_start3A_125 = arith.constant 0 : i32
        %dma_start3A_126 = arith.constant 640 : i32
        %dma_start3A_127 = tpu.memref_slice %arg16[%dma_start3A_125, %dma_start3A_126] : memref<16x768xf32, #tpu.memory_space<vmem>> -> memref<16x128xf32, #tpu.memory_space<vmem>>
        %dma_start3A_128 = arith.constant 0 : i32
        %dma_start3A_129 = arith.constant 0 : i32
        %dma_start3A_130 = tpu.memref_slice %arg12[%dma_start3A_128, %dma_start3A_129] : memref<464x128xf32, #tpu.memory_space<hbm>> -> memref<464x128xf32, #tpu.memory_space<hbm>>
        tpu.enqueue_indirect_dma source(%dma_start3A_127 : memref<16x128xf32, #tpu.memory_space<vmem>>) target(%dma_start3A_130 : memref<464x128xf32, #tpu.memory_space<hbm>>) offsets(%add3A_124 : vector<16xi32>) semaphore(%arg18 : memref<!tpu.dma_semaphore, #tpu.memory_space<semaphore_mem>>)
        %dma_wait3A_131 = arith.constant 0 : i32
        %dma_wait3A_132 = arith.constant 0 : i32
        %dma_wait3A_133 = tpu.memref_slice %arg16[%dma_wait3A_131, %dma_wait3A_132] : memref<16x768xf32, #tpu.memory_space<vmem>> -> memref<16x128xf32, #tpu.memory_space<vmem>>
        %dma_wait3A_134 = arith.constant 0 : i32
        %dma_wait3A_135 = arith.constant 0 : i32
        %dma_wait3A_136 = tpu.memref_slice %arg12[%dma_wait3A_134, %dma_wait3A_135] : memref<464x128xf32, #tpu.memory_space<hbm>> -> memref<464x128xf32, #tpu.memory_space<hbm>>
        tpu.wait_indirect_dma semaphore(%arg18 : memref<!tpu.dma_semaphore, #tpu.memory_space<semaphore_mem>>) src(%dma_wait3A_133 : memref<16x128xf32, #tpu.memory_space<vmem>>) dst(%dma_wait3A_136 : memref<464x128xf32, #tpu.memory_space<hbm>>)
        %dma_wait3A_137 = arith.constant 0 : i32
        %dma_wait3A_138 = arith.constant 128 : i32
        %dma_wait3A_139 = tpu.memref_slice %arg16[%dma_wait3A_137, %dma_wait3A_138] : memref<16x768xf32, #tpu.memory_space<vmem>> -> memref<16x128xf32, #tpu.memory_space<vmem>>
        %dma_wait3A_140 = arith.constant 0 : i32
        %dma_wait3A_141 = arith.constant 0 : i32
        %dma_wait3A_142 = tpu.memref_slice %arg12[%dma_wait3A_140, %dma_wait3A_141] : memref<464x128xf32, #tpu.memory_space<hbm>> -> memref<464x128xf32, #tpu.memory_space<hbm>>
        tpu.wait_indirect_dma semaphore(%arg18 : memref<!tpu.dma_semaphore, #tpu.memory_space<semaphore_mem>>) src(%dma_wait3A_139 : memref<16x128xf32, #tpu.memory_space<vmem>>) dst(%dma_wait3A_142 : memref<464x128xf32, #tpu.memory_space<hbm>>)
        %dma_wait3A_143 = arith.constant 0 : i32
        %dma_wait3A_144 = arith.constant 256 : i32
        %dma_wait3A_145 = tpu.memref_slice %arg16[%dma_wait3A_143, %dma_wait3A_144] : memref<16x768xf32, #tpu.memory_space<vmem>> -> memref<16x128xf32, #tpu.memory_space<vmem>>
        %dma_wait3A_146 = arith.constant 0 : i32
        %dma_wait3A_147 = arith.constant 0 : i32
        %dma_wait3A_148 = tpu.memref_slice %arg12[%dma_wait3A_146, %dma_wait3A_147] : memref<464x128xf32, #tpu.memory_space<hbm>> -> memref<464x128xf32, #tpu.memory_space<hbm>>
        tpu.wait_indirect_dma semaphore(%arg18 : memref<!tpu.dma_semaphore, #tpu.memory_space<semaphore_mem>>) src(%dma_wait3A_145 : memref<16x128xf32, #tpu.memory_space<vmem>>) dst(%dma_wait3A_148 : memref<464x128xf32, #tpu.memory_space<hbm>>)
        %dma_wait3A_149 = arith.constant 0 : i32
        %dma_wait3A_150 = arith.constant 384 : i32
        %dma_wait3A_151 = tpu.memref_slice %arg16[%dma_wait3A_149, %dma_wait3A_150] : memref<16x768xf32, #tpu.memory_space<vmem>> -> memref<16x128xf32, #tpu.memory_space<vmem>>
        %dma_wait3A_152 = arith.constant 0 : i32
        %dma_wait3A_153 = arith.constant 0 : i32
        %dma_wait3A_154 = tpu.memref_slice %arg12[%dma_wait3A_152, %dma_wait3A_153] : memref<464x128xf32, #tpu.memory_space<hbm>> -> memref<464x128xf32, #tpu.memory_space<hbm>>
        tpu.wait_indirect_dma semaphore(%arg18 : memref<!tpu.dma_semaphore, #tpu.memory_space<semaphore_mem>>) src(%dma_wait3A_151 : memref<16x128xf32, #tpu.memory_space<vmem>>) dst(%dma_wait3A_154 : memref<464x128xf32, #tpu.memory_space<hbm>>)
        %dma_wait3A_155 = arith.constant 0 : i32
        %dma_wait3A_156 = arith.constant 512 : i32
        %dma_wait3A_157 = tpu.memref_slice %arg16[%dma_wait3A_155, %dma_wait3A_156] : memref<16x768xf32, #tpu.memory_space<vmem>> -> memref<16x128xf32, #tpu.memory_space<vmem>>
        %dma_wait3A_158 = arith.constant 0 : i32
        %dma_wait3A_159 = arith.constant 0 : i32
        %dma_wait3A_160 = tpu.memref_slice %arg12[%dma_wait3A_158, %dma_wait3A_159] : memref<464x128xf32, #tpu.memory_space<hbm>> -> memref<464x128xf32, #tpu.memory_space<hbm>>
        tpu.wait_indirect_dma semaphore(%arg18 : memref<!tpu.dma_semaphore, #tpu.memory_space<semaphore_mem>>) src(%dma_wait3A_157 : memref<16x128xf32, #tpu.memory_space<vmem>>) dst(%dma_wait3A_160 : memref<464x128xf32, #tpu.memory_space<hbm>>)
        %dma_wait3A_161 = arith.constant 0 : i32
        %dma_wait3A_162 = arith.constant 640 : i32
        %dma_wait3A_163 = tpu.memref_slice %arg16[%dma_wait3A_161, %dma_wait3A_162] : memref<16x768xf32, #tpu.memory_space<vmem>> -> memref<16x128xf32, #tpu.memory_space<vmem>>
        %dma_wait3A_164 = arith.constant 0 : i32
        %dma_wait3A_165 = arith.constant 0 : i32
        %dma_wait3A_166 = tpu.memref_slice %arg12[%dma_wait3A_164, %dma_wait3A_165] : memref<464x128xf32, #tpu.memory_space<hbm>> -> memref<464x128xf32, #tpu.memory_space<hbm>>
        tpu.wait_indirect_dma semaphore(%arg18 : memref<!tpu.dma_semaphore, #tpu.memory_space<semaphore_mem>>) src(%dma_wait3A_163 : memref<16x128xf32, #tpu.memory_space<vmem>>) dst(%dma_wait3A_166 : memref<464x128xf32, #tpu.memory_space<hbm>>)
      } else {
      }
      %eq3A = arith.constant 4 : i32
      %eq3A_34 = arith.cmpi eq, %sub3A_28, %eq3A : i32
      %convert_element_type3A_35 = arith.extui %eq3A_34 : i1 to i32
      %cond3A_36 = arith.constant 0 : i32
      %cond3A_37 = arith.cmpi ne, %convert_element_type3A_35, %cond3A_36 : i32
      scf.if %cond3A_37 {
        "tpu.region"() ({
          %run_scoped3A = tpu.sem_alloc : memref<!tpu.dma_semaphore, #tpu.memory_space<semaphore_mem>>
          tpu.enqueue_dma source(%arg3 : memref<72x128xf32, #tpu.memory_space<hbm>>) target(%arg17 : memref<72x128xf32, #tpu.memory_space<vmem>>) target_semaphore(%run_scoped3A : memref<!tpu.dma_semaphore, #tpu.memory_space<semaphore_mem>>)
          tpu.wait_dma2 semaphore(%run_scoped3A : memref<!tpu.dma_semaphore, #tpu.memory_space<semaphore_mem>>) src(%arg3 : memref<72x128xf32, #tpu.memory_space<hbm>>) dst(%arg17 : memref<72x128xf32, #tpu.memory_space<vmem>>)
          tpu.yield
        }) : () -> ()
        %add3A_43 = arith.constant 6 : i32
        %add3A_44 = vector.broadcast %add3A_43 : i32 to vector<16xi32>
        %add3A_45 = arith.addi %add3A_44, %iota3A : vector<16xi32>
        %dma_start3A = arith.constant 0 : i32
        %dma_start3A_46 = arith.constant 0 : i32
        %dma_start3A_47 = tpu.memref_slice %arg17[%dma_start3A, %dma_start3A_46] : memref<72x128xf32, #tpu.memory_space<vmem>> -> memref<16x128xf32, #tpu.memory_space<vmem>>
        %dma_start3A_48 = arith.constant 0 : i32
        %dma_start3A_49 = arith.constant 0 : i32
        %dma_start3A_50 = tpu.memref_slice %arg12[%dma_start3A_48, %dma_start3A_49] : memref<464x128xf32, #tpu.memory_space<hbm>> -> memref<464x128xf32, #tpu.memory_space<hbm>>
        tpu.enqueue_indirect_dma source(%dma_start3A_47 : memref<16x128xf32, #tpu.memory_space<vmem>>) target(%dma_start3A_50 : memref<464x128xf32, #tpu.memory_space<hbm>>) offsets(%add3A_45 : vector<16xi32>) semaphore(%arg18 : memref<!tpu.dma_semaphore, #tpu.memory_space<semaphore_mem>>)
        %add3A_51 = arith.constant 22 : i32
        %add3A_52 = vector.broadcast %add3A_51 : i32 to vector<16xi32>
        %add3A_53 = arith.addi %add3A_52, %iota3A : vector<16xi32>
        %dma_start3A_54 = arith.constant 16 : i32
        %dma_start3A_55 = arith.constant 0 : i32
        %dma_start3A_56 = tpu.memref_slice %arg17[%dma_start3A_54, %dma_start3A_55] : memref<72x128xf32, #tpu.memory_space<vmem>> -> memref<16x128xf32, #tpu.memory_space<vmem>>
        %dma_start3A_57 = arith.constant 0 : i32
        %dma_start3A_58 = arith.constant 0 : i32
        %dma_start3A_59 = tpu.memref_slice %arg12[%dma_start3A_57, %dma_start3A_58] : memref<464x128xf32, #tpu.memory_space<hbm>> -> memref<464x128xf32, #tpu.memory_space<hbm>>
        tpu.enqueue_indirect_dma source(%dma_start3A_56 : memref<16x128xf32, #tpu.memory_space<vmem>>) target(%dma_start3A_59 : memref<464x128xf32, #tpu.memory_space<hbm>>) offsets(%add3A_53 : vector<16xi32>) semaphore(%arg18 : memref<!tpu.dma_semaphore, #tpu.memory_space<semaphore_mem>>)
        %add3A_60 = arith.constant 38 : i32
        %add3A_61 = vector.broadcast %add3A_60 : i32 to vector<16xi32>
        %add3A_62 = arith.addi %add3A_61, %iota3A : vector<16xi32>
        %dma_start3A_63 = arith.constant 32 : i32
        %dma_start3A_64 = arith.constant 0 : i32
        %dma_start3A_65 = tpu.memref_slice %arg17[%dma_start3A_63, %dma_start3A_64] : memref<72x128xf32, #tpu.memory_space<vmem>> -> memref<16x128xf32, #tpu.memory_space<vmem>>
        %dma_start3A_66 = arith.constant 0 : i32
        %dma_start3A_67 = arith.constant 0 : i32
        %dma_start3A_68 = tpu.memref_slice %arg12[%dma_start3A_66, %dma_start3A_67] : memref<464x128xf32, #tpu.memory_space<hbm>> -> memref<464x128xf32, #tpu.memory_space<hbm>>
        tpu.enqueue_indirect_dma source(%dma_start3A_65 : memref<16x128xf32, #tpu.memory_space<vmem>>) target(%dma_start3A_68 : memref<464x128xf32, #tpu.memory_space<hbm>>) offsets(%add3A_62 : vector<16xi32>) semaphore(%arg18 : memref<!tpu.dma_semaphore, #tpu.memory_space<semaphore_mem>>)
        %add3A_69 = arith.constant 54 : i32
        %add3A_70 = vector.broadcast %add3A_69 : i32 to vector<16xi32>
        %add3A_71 = arith.addi %add3A_70, %iota3A : vector<16xi32>
        %dma_start3A_72 = arith.constant 48 : i32
        %dma_start3A_73 = arith.constant 0 : i32
        %dma_start3A_74 = tpu.memref_slice %arg17[%dma_start3A_72, %dma_start3A_73] : memref<72x128xf32, #tpu.memory_space<vmem>> -> memref<16x128xf32, #tpu.memory_space<vmem>>
        %dma_start3A_75 = arith.constant 0 : i32
        %dma_start3A_76 = arith.constant 0 : i32
        %dma_start3A_77 = tpu.memref_slice %arg12[%dma_start3A_75, %dma_start3A_76] : memref<464x128xf32, #tpu.memory_space<hbm>> -> memref<464x128xf32, #tpu.memory_space<hbm>>
        tpu.enqueue_indirect_dma source(%dma_start3A_74 : memref<16x128xf32, #tpu.memory_space<vmem>>) target(%dma_start3A_77 : memref<464x128xf32, #tpu.memory_space<hbm>>) offsets(%add3A_71 : vector<16xi32>) semaphore(%arg18 : memref<!tpu.dma_semaphore, #tpu.memory_space<semaphore_mem>>)
        %add3A_78 = arith.constant 62 : i32
        %add3A_79 = vector.broadcast %add3A_78 : i32 to vector<16xi32>
        %add3A_80 = arith.addi %add3A_79, %iota3A : vector<16xi32>
        %dma_start3A_81 = arith.constant 56 : i32
        %dma_start3A_82 = arith.constant 0 : i32
        %dma_start3A_83 = tpu.memref_slice %arg17[%dma_start3A_81, %dma_start3A_82] : memref<72x128xf32, #tpu.memory_space<vmem>> -> memref<16x128xf32, #tpu.memory_space<vmem>>
        %dma_start3A_84 = arith.constant 0 : i32
        %dma_start3A_85 = arith.constant 0 : i32
        %dma_start3A_86 = tpu.memref_slice %arg12[%dma_start3A_84, %dma_start3A_85] : memref<464x128xf32, #tpu.memory_space<hbm>> -> memref<464x128xf32, #tpu.memory_space<hbm>>
        tpu.enqueue_indirect_dma source(%dma_start3A_83 : memref<16x128xf32, #tpu.memory_space<vmem>>) target(%dma_start3A_86 : memref<464x128xf32, #tpu.memory_space<hbm>>) offsets(%add3A_80 : vector<16xi32>) semaphore(%arg18 : memref<!tpu.dma_semaphore, #tpu.memory_space<semaphore_mem>>)
        %dma_wait3A = arith.constant 0 : i32
        %dma_wait3A_87 = arith.constant 0 : i32
        %dma_wait3A_88 = tpu.memref_slice %arg17[%dma_wait3A, %dma_wait3A_87] : memref<72x128xf32, #tpu.memory_space<vmem>> -> memref<16x128xf32, #tpu.memory_space<vmem>>
        %dma_wait3A_89 = arith.constant 0 : i32
        %dma_wait3A_90 = arith.constant 0 : i32
        %dma_wait3A_91 = tpu.memref_slice %arg12[%dma_wait3A_89, %dma_wait3A_90] : memref<464x128xf32, #tpu.memory_space<hbm>> -> memref<464x128xf32, #tpu.memory_space<hbm>>
        tpu.wait_indirect_dma semaphore(%arg18 : memref<!tpu.dma_semaphore, #tpu.memory_space<semaphore_mem>>) src(%dma_wait3A_88 : memref<16x128xf32, #tpu.memory_space<vmem>>) dst(%dma_wait3A_91 : memref<464x128xf32, #tpu.memory_space<hbm>>)
        %dma_wait3A_92 = arith.constant 16 : i32
        %dma_wait3A_93 = arith.constant 0 : i32
        %dma_wait3A_94 = tpu.memref_slice %arg17[%dma_wait3A_92, %dma_wait3A_93] : memref<72x128xf32, #tpu.memory_space<vmem>> -> memref<16x128xf32, #tpu.memory_space<vmem>>
        %dma_wait3A_95 = arith.constant 0 : i32
        %dma_wait3A_96 = arith.constant 0 : i32
        %dma_wait3A_97 = tpu.memref_slice %arg12[%dma_wait3A_95, %dma_wait3A_96] : memref<464x128xf32, #tpu.memory_space<hbm>> -> memref<464x128xf32, #tpu.memory_space<hbm>>
        tpu.wait_indirect_dma semaphore(%arg18 : memref<!tpu.dma_semaphore, #tpu.memory_space<semaphore_mem>>) src(%dma_wait3A_94 : memref<16x128xf32, #tpu.memory_space<vmem>>) dst(%dma_wait3A_97 : memref<464x128xf32, #tpu.memory_space<hbm>>)
        %dma_wait3A_98 = arith.constant 32 : i32
        %dma_wait3A_99 = arith.constant 0 : i32
        %dma_wait3A_100 = tpu.memref_slice %arg17[%dma_wait3A_98, %dma_wait3A_99] : memref<72x128xf32, #tpu.memory_space<vmem>> -> memref<16x128xf32, #tpu.memory_space<vmem>>
        %dma_wait3A_101 = arith.constant 0 : i32
        %dma_wait3A_102 = arith.constant 0 : i32
        %dma_wait3A_103 = tpu.memref_slice %arg12[%dma_wait3A_101, %dma_wait3A_102] : memref<464x128xf32, #tpu.memory_space<hbm>> -> memref<464x128xf32, #tpu.memory_space<hbm>>
        tpu.wait_indirect_dma semaphore(%arg18 : memref<!tpu.dma_semaphore, #tpu.memory_space<semaphore_mem>>) src(%dma_wait3A_100 : memref<16x128xf32, #tpu.memory_space<vmem>>) dst(%dma_wait3A_103 : memref<464x128xf32, #tpu.memory_space<hbm>>)
        %dma_wait3A_104 = arith.constant 48 : i32
        %dma_wait3A_105 = arith.constant 0 : i32
        %dma_wait3A_106 = tpu.memref_slice %arg17[%dma_wait3A_104, %dma_wait3A_105] : memref<72x128xf32, #tpu.memory_space<vmem>> -> memref<16x128xf32, #tpu.memory_space<vmem>>
        %dma_wait3A_107 = arith.constant 0 : i32
        %dma_wait3A_108 = arith.constant 0 : i32
        %dma_wait3A_109 = tpu.memref_slice %arg12[%dma_wait3A_107, %dma_wait3A_108] : memref<464x128xf32, #tpu.memory_space<hbm>> -> memref<464x128xf32, #tpu.memory_space<hbm>>
        tpu.wait_indirect_dma semaphore(%arg18 : memref<!tpu.dma_semaphore, #tpu.memory_space<semaphore_mem>>) src(%dma_wait3A_106 : memref<16x128xf32, #tpu.memory_space<vmem>>) dst(%dma_wait3A_109 : memref<464x128xf32, #tpu.memory_space<hbm>>)
        %dma_wait3A_110 = arith.constant 56 : i32
        %dma_wait3A_111 = arith.constant 0 : i32
        %dma_wait3A_112 = tpu.memref_slice %arg17[%dma_wait3A_110, %dma_wait3A_111] : memref<72x128xf32, #tpu.memory_space<vmem>> -> memref<16x128xf32, #tpu.memory_space<vmem>>
        %dma_wait3A_113 = arith.constant 0 : i32
        %dma_wait3A_114 = arith.constant 0 : i32
        %dma_wait3A_115 = tpu.memref_slice %arg12[%dma_wait3A_113, %dma_wait3A_114] : memref<464x128xf32, #tpu.memory_space<hbm>> -> memref<464x128xf32, #tpu.memory_space<hbm>>
        tpu.wait_indirect_dma semaphore(%arg18 : memref<!tpu.dma_semaphore, #tpu.memory_space<semaphore_mem>>) src(%dma_wait3A_112 : memref<16x128xf32, #tpu.memory_space<vmem>>) dst(%dma_wait3A_115 : memref<464x128xf32, #tpu.memory_space<hbm>>)
      } else {
      }
      %eq3A_38 = arith.constant 5 : i32
      %eq3A_39 = arith.cmpi eq, %sub3A_28, %eq3A_38 : i32
      %convert_element_type3A_40 = arith.extui %eq3A_39 : i1 to i32
      %cond3A_41 = arith.constant 0 : i32
      %cond3A_42 = arith.cmpi ne, %convert_element_type3A_40, %cond3A_41 : i32
      scf.if %cond3A_42 {
        "tpu.region"() ({
          %run_scoped3A = tpu.sem_alloc : memref<!tpu.dma_semaphore, #tpu.memory_space<semaphore_mem>>
          tpu.enqueue_dma source(%arg4 : memref<72x128xf32, #tpu.memory_space<hbm>>) target(%arg17 : memref<72x128xf32, #tpu.memory_space<vmem>>) target_semaphore(%run_scoped3A : memref<!tpu.dma_semaphore, #tpu.memory_space<semaphore_mem>>)
          tpu.wait_dma2 semaphore(%run_scoped3A : memref<!tpu.dma_semaphore, #tpu.memory_space<semaphore_mem>>) src(%arg4 : memref<72x128xf32, #tpu.memory_space<hbm>>) dst(%arg17 : memref<72x128xf32, #tpu.memory_space<vmem>>)
          tpu.yield
        }) : () -> ()
        %add3A_43 = arith.constant 78 : i32
        %add3A_44 = vector.broadcast %add3A_43 : i32 to vector<16xi32>
        %add3A_45 = arith.addi %add3A_44, %iota3A : vector<16xi32>
        %dma_start3A = arith.constant 0 : i32
        %dma_start3A_46 = arith.constant 0 : i32
        %dma_start3A_47 = tpu.memref_slice %arg17[%dma_start3A, %dma_start3A_46] : memref<72x128xf32, #tpu.memory_space<vmem>> -> memref<16x128xf32, #tpu.memory_space<vmem>>
        %dma_start3A_48 = arith.constant 0 : i32
        %dma_start3A_49 = arith.constant 0 : i32
        %dma_start3A_50 = tpu.memref_slice %arg12[%dma_start3A_48, %dma_start3A_49] : memref<464x128xf32, #tpu.memory_space<hbm>> -> memref<464x128xf32, #tpu.memory_space<hbm>>
        tpu.enqueue_indirect_dma source(%dma_start3A_47 : memref<16x128xf32, #tpu.memory_space<vmem>>) target(%dma_start3A_50 : memref<464x128xf32, #tpu.memory_space<hbm>>) offsets(%add3A_45 : vector<16xi32>) semaphore(%arg18 : memref<!tpu.dma_semaphore, #tpu.memory_space<semaphore_mem>>)
        %add3A_51 = arith.constant 94 : i32
        %add3A_52 = vector.broadcast %add3A_51 : i32 to vector<16xi32>
        %add3A_53 = arith.addi %add3A_52, %iota3A : vector<16xi32>
        %dma_start3A_54 = arith.constant 16 : i32
        %dma_start3A_55 = arith.constant 0 : i32
        %dma_start3A_56 = tpu.memref_slice %arg17[%dma_start3A_54, %dma_start3A_55] : memref<72x128xf32, #tpu.memory_space<vmem>> -> memref<16x128xf32, #tpu.memory_space<vmem>>
        %dma_start3A_57 = arith.constant 0 : i32
        %dma_start3A_58 = arith.constant 0 : i32
        %dma_start3A_59 = tpu.memref_slice %arg12[%dma_start3A_57, %dma_start3A_58] : memref<464x128xf32, #tpu.memory_space<hbm>> -> memref<464x128xf32, #tpu.memory_space<hbm>>
        tpu.enqueue_indirect_dma source(%dma_start3A_56 : memref<16x128xf32, #tpu.memory_space<vmem>>) target(%dma_start3A_59 : memref<464x128xf32, #tpu.memory_space<hbm>>) offsets(%add3A_53 : vector<16xi32>) semaphore(%arg18 : memref<!tpu.dma_semaphore, #tpu.memory_space<semaphore_mem>>)
        %add3A_60 = arith.constant 110 : i32
        %add3A_61 = vector.broadcast %add3A_60 : i32 to vector<16xi32>
        %add3A_62 = arith.addi %add3A_61, %iota3A : vector<16xi32>
        %dma_start3A_63 = arith.constant 32 : i32
        %dma_start3A_64 = arith.constant 0 : i32
        %dma_start3A_65 = tpu.memref_slice %arg17[%dma_start3A_63, %dma_start3A_64] : memref<72x128xf32, #tpu.memory_space<vmem>> -> memref<16x128xf32, #tpu.memory_space<vmem>>
        %dma_start3A_66 = arith.constant 0 : i32
        %dma_start3A_67 = arith.constant 0 : i32
        %dma_start3A_68 = tpu.memref_slice %arg12[%dma_start3A_66, %dma_start3A_67] : memref<464x128xf32, #tpu.memory_space<hbm>> -> memref<464x128xf32, #tpu.memory_space<hbm>>
        tpu.enqueue_indirect_dma source(%dma_start3A_65 : memref<16x128xf32, #tpu.memory_space<vmem>>) target(%dma_start3A_68 : memref<464x128xf32, #tpu.memory_space<hbm>>) offsets(%add3A_62 : vector<16xi32>) semaphore(%arg18 : memref<!tpu.dma_semaphore, #tpu.memory_space<semaphore_mem>>)
        %add3A_69 = arith.constant 126 : i32
        %add3A_70 = vector.broadcast %add3A_69 : i32 to vector<16xi32>
        %add3A_71 = arith.addi %add3A_70, %iota3A : vector<16xi32>
        %dma_start3A_72 = arith.constant 48 : i32
        %dma_start3A_73 = arith.constant 0 : i32
        %dma_start3A_74 = tpu.memref_slice %arg17[%dma_start3A_72, %dma_start3A_73] : memref<72x128xf32, #tpu.memory_space<vmem>> -> memref<16x128xf32, #tpu.memory_space<vmem>>
        %dma_start3A_75 = arith.constant 0 : i32
        %dma_start3A_76 = arith.constant 0 : i32
        %dma_start3A_77 = tpu.memref_slice %arg12[%dma_start3A_75, %dma_start3A_76] : memref<464x128xf32, #tpu.memory_space<hbm>> -> memref<464x128xf32, #tpu.memory_space<hbm>>
        tpu.enqueue_indirect_dma source(%dma_start3A_74 : memref<16x128xf32, #tpu.memory_space<vmem>>) target(%dma_start3A_77 : memref<464x128xf32, #tpu.memory_space<hbm>>) offsets(%add3A_71 : vector<16xi32>) semaphore(%arg18 : memref<!tpu.dma_semaphore, #tpu.memory_space<semaphore_mem>>)
        %add3A_78 = arith.constant 134 : i32
        %add3A_79 = vector.broadcast %add3A_78 : i32 to vector<16xi32>
        %add3A_80 = arith.addi %add3A_79, %iota3A : vector<16xi32>
        %dma_start3A_81 = arith.constant 56 : i32
        %dma_start3A_82 = arith.constant 0 : i32
        %dma_start3A_83 = tpu.memref_slice %arg17[%dma_start3A_81, %dma_start3A_82] : memref<72x128xf32, #tpu.memory_space<vmem>> -> memref<16x128xf32, #tpu.memory_space<vmem>>
        %dma_start3A_84 = arith.constant 0 : i32
        %dma_start3A_85 = arith.constant 0 : i32
        %dma_start3A_86 = tpu.memref_slice %arg12[%dma_start3A_84, %dma_start3A_85] : memref<464x128xf32, #tpu.memory_space<hbm>> -> memref<464x128xf32, #tpu.memory_space<hbm>>
        tpu.enqueue_indirect_dma source(%dma_start3A_83 : memref<16x128xf32, #tpu.memory_space<vmem>>) target(%dma_start3A_86 : memref<464x128xf32, #tpu.memory_space<hbm>>) offsets(%add3A_80 : vector<16xi32>) semaphore(%arg18 : memref<!tpu.dma_semaphore, #tpu.memory_space<semaphore_mem>>)
        %dma_wait3A = arith.constant 0 : i32
        %dma_wait3A_87 = arith.constant 0 : i32
        %dma_wait3A_88 = tpu.memref_slice %arg17[%dma_wait3A, %dma_wait3A_87] : memref<72x128xf32, #tpu.memory_space<vmem>> -> memref<16x128xf32, #tpu.memory_space<vmem>>
        %dma_wait3A_89 = arith.constant 0 : i32
        %dma_wait3A_90 = arith.constant 0 : i32
        %dma_wait3A_91 = tpu.memref_slice %arg12[%dma_wait3A_89, %dma_wait3A_90] : memref<464x128xf32, #tpu.memory_space<hbm>> -> memref<464x128xf32, #tpu.memory_space<hbm>>
        tpu.wait_indirect_dma semaphore(%arg18 : memref<!tpu.dma_semaphore, #tpu.memory_space<semaphore_mem>>) src(%dma_wait3A_88 : memref<16x128xf32, #tpu.memory_space<vmem>>) dst(%dma_wait3A_91 : memref<464x128xf32, #tpu.memory_space<hbm>>)
        %dma_wait3A_92 = arith.constant 16 : i32
        %dma_wait3A_93 = arith.constant 0 : i32
        %dma_wait3A_94 = tpu.memref_slice %arg17[%dma_wait3A_92, %dma_wait3A_93] : memref<72x128xf32, #tpu.memory_space<vmem>> -> memref<16x128xf32, #tpu.memory_space<vmem>>
        %dma_wait3A_95 = arith.constant 0 : i32
        %dma_wait3A_96 = arith.constant 0 : i32
        %dma_wait3A_97 = tpu.memref_slice %arg12[%dma_wait3A_95, %dma_wait3A_96] : memref<464x128xf32, #tpu.memory_space<hbm>> -> memref<464x128xf32, #tpu.memory_space<hbm>>
        tpu.wait_indirect_dma semaphore(%arg18 : memref<!tpu.dma_semaphore, #tpu.memory_space<semaphore_mem>>) src(%dma_wait3A_94 : memref<16x128xf32, #tpu.memory_space<vmem>>) dst(%dma_wait3A_97 : memref<464x128xf32, #tpu.memory_space<hbm>>)
        %dma_wait3A_98 = arith.constant 32 : i32
        %dma_wait3A_99 = arith.constant 0 : i32
        %dma_wait3A_100 = tpu.memref_slice %arg17[%dma_wait3A_98, %dma_wait3A_99] : memref<72x128xf32, #tpu.memory_space<vmem>> -> memref<16x128xf32, #tpu.memory_space<vmem>>
        %dma_wait3A_101 = arith.constant 0 : i32
        %dma_wait3A_102 = arith.constant 0 : i32
        %dma_wait3A_103 = tpu.memref_slice %arg12[%dma_wait3A_101, %dma_wait3A_102] : memref<464x128xf32, #tpu.memory_space<hbm>> -> memref<464x128xf32, #tpu.memory_space<hbm>>
        tpu.wait_indirect_dma semaphore(%arg18 : memref<!tpu.dma_semaphore, #tpu.memory_space<semaphore_mem>>) src(%dma_wait3A_100 : memref<16x128xf32, #tpu.memory_space<vmem>>) dst(%dma_wait3A_103 : memref<464x128xf32, #tpu.memory_space<hbm>>)
        %dma_wait3A_104 = arith.constant 48 : i32
        %dma_wait3A_105 = arith.constant 0 : i32
        %dma_wait3A_106 = tpu.memref_slice %arg17[%dma_wait3A_104, %dma_wait3A_105] : memref<72x128xf32, #tpu.memory_space<vmem>> -> memref<16x128xf32, #tpu.memory_space<vmem>>
        %dma_wait3A_107 = arith.constant 0 : i32
        %dma_wait3A_108 = arith.constant 0 : i32
        %dma_wait3A_109 = tpu.memref_slice %arg12[%dma_wait3A_107, %dma_wait3A_108] : memref<464x128xf32, #tpu.memory_space<hbm>> -> memref<464x128xf32, #tpu.memory_space<hbm>>
        tpu.wait_indirect_dma semaphore(%arg18 : memref<!tpu.dma_semaphore, #tpu.memory_space<semaphore_mem>>) src(%dma_wait3A_106 : memref<16x128xf32, #tpu.memory_space<vmem>>) dst(%dma_wait3A_109 : memref<464x128xf32, #tpu.memory_space<hbm>>)
        %dma_wait3A_110 = arith.constant 56 : i32
        %dma_wait3A_111 = arith.constant 0 : i32
        %dma_wait3A_112 = tpu.memref_slice %arg17[%dma_wait3A_110, %dma_wait3A_111] : memref<72x128xf32, #tpu.memory_space<vmem>> -> memref<16x128xf32, #tpu.memory_space<vmem>>
        %dma_wait3A_113 = arith.constant 0 : i32
        %dma_wait3A_114 = arith.constant 0 : i32
        %dma_wait3A_115 = tpu.memref_slice %arg12[%dma_wait3A_113, %dma_wait3A_114] : memref<464x128xf32, #tpu.memory_space<hbm>> -> memref<464x128xf32, #tpu.memory_space<hbm>>
        tpu.wait_indirect_dma semaphore(%arg18 : memref<!tpu.dma_semaphore, #tpu.memory_space<semaphore_mem>>) src(%dma_wait3A_112 : memref<16x128xf32, #tpu.memory_space<vmem>>) dst(%dma_wait3A_115 : memref<464x128xf32, #tpu.memory_space<hbm>>)
      } else {
      }
    } else {
    }
    %ge3A_12 = arith.constant 12 : i32
    %ge3A_13 = arith.cmpi sge, %add3A, %ge3A_12 : i32
    %lt3A_14 = arith.constant 18 : i32
    %lt3A_15 = arith.cmpi slt, %add3A, %lt3A_14 : i32
    %and3A_16 = arith.andi %ge3A_13, %lt3A_15 : i1
    %convert_element_type3A_17 = arith.extui %and3A_16 : i1 to i32
    %cond3A_18 = arith.constant 0 : i32
    %cond3A_19 = arith.cmpi ne, %convert_element_type3A_17, %cond3A_18 : i32
    scf.if %cond3A_19 {
      %sub3A = arith.constant 12 : i32
      %sub3A_28 = arith.subi %add3A, %sub3A : i32
      %lt3A_29 = arith.constant 5 : i32
      %lt3A_30 = arith.cmpi slt, %sub3A_28, %lt3A_29 : i32
      %convert_element_type3A_31 = arith.extui %lt3A_30 : i1 to i32
      %cond3A_32 = arith.constant 0 : i32
      %cond3A_33 = arith.cmpi ne, %convert_element_type3A_31, %cond3A_32 : i32
      scf.if %cond3A_33 {
        "tpu.region"() ({
          %run_scoped3A = tpu.sem_alloc : memref<!tpu.dma_semaphore, #tpu.memory_space<semaphore_mem>>
          tpu.enqueue_dma source(%arg9 : memref<77xi32, #tpu.memory_space<hbm>>) target(%arg15 : memref<77xi32, #tpu.memory_space<vmem>>) target_semaphore(%run_scoped3A : memref<!tpu.dma_semaphore, #tpu.memory_space<semaphore_mem>>)
          tpu.wait_dma2 semaphore(%run_scoped3A : memref<!tpu.dma_semaphore, #tpu.memory_space<semaphore_mem>>) src(%arg9 : memref<77xi32, #tpu.memory_space<hbm>>) dst(%arg15 : memref<77xi32, #tpu.memory_space<vmem>>)
          tpu.yield
        }) : () -> ()
        %mul3A_38 = arith.constant 16 : i32
        %mul3A_39 = arith.muli %sub3A_28, %mul3A_38 : i32
        %add3A_40 = vector.broadcast %mul3A_39 : i32 to vector<16xi32>
        %add3A_41 = arith.addi %iota3A, %add3A_40 : vector<16xi32>
        %min3A = arith.constant 64 : i32
        %min3A_42 = vector.broadcast %min3A : i32 to vector<16xi32>
        %min3A_43 = arith.minsi %add3A_41, %min3A_42 : vector<16xi32>
        %lt3A_44 = arith.constant 1 : i32
        %lt3A_45 = vector.broadcast %lt3A_44 : i32 to vector<16xi32>
        %lt3A_46 = arith.cmpi slt, %min3A_43, %lt3A_45 : vector<16xi32>
        %add3A_47 = arith.constant 12 : i32
        %add3A_48 = vector.broadcast %add3A_47 : i32 to vector<16xi32>
        %add3A_49 = arith.addi %add3A_48, %min3A_43 : vector<16xi32>
        %jit3A = arith.constant 0 : i32
        %broadcast_in_dim3A = vector.broadcast %jit3A : i32 to vector<16xi32>
        %select_n3A = arith.select %lt3A_46, %broadcast_in_dim3A, %add3A_49 : vector<16xi1>, vector<16xi32>
        %gather3A = tpu.vector_load_idx %arg15[%select_n3A] : memref<77xi32, #tpu.memory_space<vmem>>[vector<16xi32>], vector<16xi32>,
        %dma_start3A = arith.constant 0 : i32
        %dma_start3A_50 = arith.constant 0 : i32
        %dma_start3A_51 = tpu.memref_slice %arg2[%dma_start3A, %dma_start3A_50] : memref<49408x768xf32, #tpu.memory_space<hbm>> -> memref<49408x768xf32, #tpu.memory_space<hbm>>
        tpu.enqueue_indirect_dma source(%dma_start3A_51 : memref<49408x768xf32, #tpu.memory_space<hbm>>) target(%arg16 : memref<16x768xf32, #tpu.memory_space<vmem>>) offsets(%gather3A : vector<16xi32>) semaphore(%arg18 : memref<!tpu.dma_semaphore, #tpu.memory_space<semaphore_mem>>)
        %dma_wait3A = arith.constant 0 : i32
        %dma_wait3A_52 = arith.constant 0 : i32
        %dma_wait3A_53 = tpu.memref_slice %arg2[%dma_wait3A, %dma_wait3A_52] : memref<49408x768xf32, #tpu.memory_space<hbm>> -> memref<49408x768xf32, #tpu.memory_space<hbm>>
        tpu.wait_indirect_dma semaphore(%arg18 : memref<!tpu.dma_semaphore, #tpu.memory_space<semaphore_mem>>) src(%dma_wait3A_53 : memref<49408x768xf32, #tpu.memory_space<hbm>>) dst(%arg16 : memref<16x768xf32, #tpu.memory_space<vmem>>)
        %mul3A_54 = arith.constant 6 : i32
        %mul3A_55 = vector.broadcast %mul3A_54 : i32 to vector<16xi32>
        %mul3A_56 = arith.muli %select_n3A, %mul3A_55 : vector<16xi32>
        %add3A_57 = arith.constant 0 : i32
        %add3A_58 = vector.broadcast %add3A_57 : i32 to vector<16xi32>
        %add3A_59 = arith.addi %mul3A_56, %add3A_58 : vector<16xi32>
        %dma_start3A_60 = arith.constant 0 : i32
        %dma_start3A_61 = arith.constant 0 : i32
        %dma_start3A_62 = tpu.memref_slice %arg16[%dma_start3A_60, %dma_start3A_61] : memref<16x768xf32, #tpu.memory_space<vmem>> -> memref<16x128xf32, #tpu.memory_space<vmem>>
        %dma_start3A_63 = arith.constant 0 : i32
        %dma_start3A_64 = arith.constant 0 : i32
        %dma_start3A_65 = tpu.memref_slice %arg13[%dma_start3A_63, %dma_start3A_64] : memref<464x128xf32, #tpu.memory_space<hbm>> -> memref<464x128xf32, #tpu.memory_space<hbm>>
        tpu.enqueue_indirect_dma source(%dma_start3A_62 : memref<16x128xf32, #tpu.memory_space<vmem>>) target(%dma_start3A_65 : memref<464x128xf32, #tpu.memory_space<hbm>>) offsets(%add3A_59 : vector<16xi32>) semaphore(%arg18 : memref<!tpu.dma_semaphore, #tpu.memory_space<semaphore_mem>>)
        %mul3A_66 = arith.constant 6 : i32
        %mul3A_67 = vector.broadcast %mul3A_66 : i32 to vector<16xi32>
        %mul3A_68 = arith.muli %select_n3A, %mul3A_67 : vector<16xi32>
        %add3A_69 = arith.constant 1 : i32
        %add3A_70 = vector.broadcast %add3A_69 : i32 to vector<16xi32>
        %add3A_71 = arith.addi %mul3A_68, %add3A_70 : vector<16xi32>
        %dma_start3A_72 = arith.constant 0 : i32
        %dma_start3A_73 = arith.constant 128 : i32
        %dma_start3A_74 = tpu.memref_slice %arg16[%dma_start3A_72, %dma_start3A_73] : memref<16x768xf32, #tpu.memory_space<vmem>> -> memref<16x128xf32, #tpu.memory_space<vmem>>
        %dma_start3A_75 = arith.constant 0 : i32
        %dma_start3A_76 = arith.constant 0 : i32
        %dma_start3A_77 = tpu.memref_slice %arg13[%dma_start3A_75, %dma_start3A_76] : memref<464x128xf32, #tpu.memory_space<hbm>> -> memref<464x128xf32, #tpu.memory_space<hbm>>
        tpu.enqueue_indirect_dma source(%dma_start3A_74 : memref<16x128xf32, #tpu.memory_space<vmem>>) target(%dma_start3A_77 : memref<464x128xf32, #tpu.memory_space<hbm>>) offsets(%add3A_71 : vector<16xi32>) semaphore(%arg18 : memref<!tpu.dma_semaphore, #tpu.memory_space<semaphore_mem>>)
        %mul3A_78 = arith.constant 6 : i32
        %mul3A_79 = vector.broadcast %mul3A_78 : i32 to vector<16xi32>
        %mul3A_80 = arith.muli %select_n3A, %mul3A_79 : vector<16xi32>
        %add3A_81 = arith.constant 2 : i32
        %add3A_82 = vector.broadcast %add3A_81 : i32 to vector<16xi32>
        %add3A_83 = arith.addi %mul3A_80, %add3A_82 : vector<16xi32>
        %dma_start3A_84 = arith.constant 0 : i32
        %dma_start3A_85 = arith.constant 256 : i32
        %dma_start3A_86 = tpu.memref_slice %arg16[%dma_start3A_84, %dma_start3A_85] : memref<16x768xf32, #tpu.memory_space<vmem>> -> memref<16x128xf32, #tpu.memory_space<vmem>>
        %dma_start3A_87 = arith.constant 0 : i32
        %dma_start3A_88 = arith.constant 0 : i32
        %dma_start3A_89 = tpu.memref_slice %arg13[%dma_start3A_87, %dma_start3A_88] : memref<464x128xf32, #tpu.memory_space<hbm>> -> memref<464x128xf32, #tpu.memory_space<hbm>>
        tpu.enqueue_indirect_dma source(%dma_start3A_86 : memref<16x128xf32, #tpu.memory_space<vmem>>) target(%dma_start3A_89 : memref<464x128xf32, #tpu.memory_space<hbm>>) offsets(%add3A_83 : vector<16xi32>) semaphore(%arg18 : memref<!tpu.dma_semaphore, #tpu.memory_space<semaphore_mem>>)
        %mul3A_90 = arith.constant 6 : i32
        %mul3A_91 = vector.broadcast %mul3A_90 : i32 to vector<16xi32>
        %mul3A_92 = arith.muli %select_n3A, %mul3A_91 : vector<16xi32>
        %add3A_93 = arith.constant 3 : i32
        %add3A_94 = vector.broadcast %add3A_93 : i32 to vector<16xi32>
        %add3A_95 = arith.addi %mul3A_92, %add3A_94 : vector<16xi32>
        %dma_start3A_96 = arith.constant 0 : i32
        %dma_start3A_97 = arith.constant 384 : i32
        %dma_start3A_98 = tpu.memref_slice %arg16[%dma_start3A_96, %dma_start3A_97] : memref<16x768xf32, #tpu.memory_space<vmem>> -> memref<16x128xf32, #tpu.memory_space<vmem>>
        %dma_start3A_99 = arith.constant 0 : i32
        %dma_start3A_100 = arith.constant 0 : i32
        %dma_start3A_101 = tpu.memref_slice %arg13[%dma_start3A_99, %dma_start3A_100] : memref<464x128xf32, #tpu.memory_space<hbm>> -> memref<464x128xf32, #tpu.memory_space<hbm>>
        tpu.enqueue_indirect_dma source(%dma_start3A_98 : memref<16x128xf32, #tpu.memory_space<vmem>>) target(%dma_start3A_101 : memref<464x128xf32, #tpu.memory_space<hbm>>) offsets(%add3A_95 : vector<16xi32>) semaphore(%arg18 : memref<!tpu.dma_semaphore, #tpu.memory_space<semaphore_mem>>)
        %mul3A_102 = arith.constant 6 : i32
        %mul3A_103 = vector.broadcast %mul3A_102 : i32 to vector<16xi32>
        %mul3A_104 = arith.muli %select_n3A, %mul3A_103 : vector<16xi32>
        %add3A_105 = arith.constant 4 : i32
        %add3A_106 = vector.broadcast %add3A_105 : i32 to vector<16xi32>
        %add3A_107 = arith.addi %mul3A_104, %add3A_106 : vector<16xi32>
        %dma_start3A_108 = arith.constant 0 : i32
        %dma_start3A_109 = arith.constant 512 : i32
        %dma_start3A_110 = tpu.memref_slice %arg16[%dma_start3A_108, %dma_start3A_109] : memref<16x768xf32, #tpu.memory_space<vmem>> -> memref<16x128xf32, #tpu.memory_space<vmem>>
        %dma_start3A_111 = arith.constant 0 : i32
        %dma_start3A_112 = arith.constant 0 : i32
        %dma_start3A_113 = tpu.memref_slice %arg13[%dma_start3A_111, %dma_start3A_112] : memref<464x128xf32, #tpu.memory_space<hbm>> -> memref<464x128xf32, #tpu.memory_space<hbm>>
        tpu.enqueue_indirect_dma source(%dma_start3A_110 : memref<16x128xf32, #tpu.memory_space<vmem>>) target(%dma_start3A_113 : memref<464x128xf32, #tpu.memory_space<hbm>>) offsets(%add3A_107 : vector<16xi32>) semaphore(%arg18 : memref<!tpu.dma_semaphore, #tpu.memory_space<semaphore_mem>>)
        %mul3A_114 = arith.constant 6 : i32
        %mul3A_115 = vector.broadcast %mul3A_114 : i32 to vector<16xi32>
        %mul3A_116 = arith.muli %select_n3A, %mul3A_115 : vector<16xi32>
        %add3A_117 = arith.constant 5 : i32
        %add3A_118 = vector.broadcast %add3A_117 : i32 to vector<16xi32>
        %add3A_119 = arith.addi %mul3A_116, %add3A_118 : vector<16xi32>
        %dma_start3A_120 = arith.constant 0 : i32
        %dma_start3A_121 = arith.constant 640 : i32
        %dma_start3A_122 = tpu.memref_slice %arg16[%dma_start3A_120, %dma_start3A_121] : memref<16x768xf32, #tpu.memory_space<vmem>> -> memref<16x128xf32, #tpu.memory_space<vmem>>
        %dma_start3A_123 = arith.constant 0 : i32
        %dma_start3A_124 = arith.constant 0 : i32
        %dma_start3A_125 = tpu.memref_slice %arg13[%dma_start3A_123, %dma_start3A_124] : memref<464x128xf32, #tpu.memory_space<hbm>> -> memref<464x128xf32, #tpu.memory_space<hbm>>
        tpu.enqueue_indirect_dma source(%dma_start3A_122 : memref<16x128xf32, #tpu.memory_space<vmem>>) target(%dma_start3A_125 : memref<464x128xf32, #tpu.memory_space<hbm>>) offsets(%add3A_119 : vector<16xi32>) semaphore(%arg18 : memref<!tpu.dma_semaphore, #tpu.memory_space<semaphore_mem>>)
        %dma_wait3A_126 = arith.constant 0 : i32
        %dma_wait3A_127 = arith.constant 0 : i32
        %dma_wait3A_128 = tpu.memref_slice %arg16[%dma_wait3A_126, %dma_wait3A_127] : memref<16x768xf32, #tpu.memory_space<vmem>> -> memref<16x128xf32, #tpu.memory_space<vmem>>
        %dma_wait3A_129 = arith.constant 0 : i32
        %dma_wait3A_130 = arith.constant 0 : i32
        %dma_wait3A_131 = tpu.memref_slice %arg13[%dma_wait3A_129, %dma_wait3A_130] : memref<464x128xf32, #tpu.memory_space<hbm>> -> memref<464x128xf32, #tpu.memory_space<hbm>>
        tpu.wait_indirect_dma semaphore(%arg18 : memref<!tpu.dma_semaphore, #tpu.memory_space<semaphore_mem>>) src(%dma_wait3A_128 : memref<16x128xf32, #tpu.memory_space<vmem>>) dst(%dma_wait3A_131 : memref<464x128xf32, #tpu.memory_space<hbm>>)
        %dma_wait3A_132 = arith.constant 0 : i32
        %dma_wait3A_133 = arith.constant 128 : i32
        %dma_wait3A_134 = tpu.memref_slice %arg16[%dma_wait3A_132, %dma_wait3A_133] : memref<16x768xf32, #tpu.memory_space<vmem>> -> memref<16x128xf32, #tpu.memory_space<vmem>>
        %dma_wait3A_135 = arith.constant 0 : i32
        %dma_wait3A_136 = arith.constant 0 : i32
        %dma_wait3A_137 = tpu.memref_slice %arg13[%dma_wait3A_135, %dma_wait3A_136] : memref<464x128xf32, #tpu.memory_space<hbm>> -> memref<464x128xf32, #tpu.memory_space<hbm>>
        tpu.wait_indirect_dma semaphore(%arg18 : memref<!tpu.dma_semaphore, #tpu.memory_space<semaphore_mem>>) src(%dma_wait3A_134 : memref<16x128xf32, #tpu.memory_space<vmem>>) dst(%dma_wait3A_137 : memref<464x128xf32, #tpu.memory_space<hbm>>)
        %dma_wait3A_138 = arith.constant 0 : i32
        %dma_wait3A_139 = arith.constant 256 : i32
        %dma_wait3A_140 = tpu.memref_slice %arg16[%dma_wait3A_138, %dma_wait3A_139] : memref<16x768xf32, #tpu.memory_space<vmem>> -> memref<16x128xf32, #tpu.memory_space<vmem>>
        %dma_wait3A_141 = arith.constant 0 : i32
        %dma_wait3A_142 = arith.constant 0 : i32
        %dma_wait3A_143 = tpu.memref_slice %arg13[%dma_wait3A_141, %dma_wait3A_142] : memref<464x128xf32, #tpu.memory_space<hbm>> -> memref<464x128xf32, #tpu.memory_space<hbm>>
        tpu.wait_indirect_dma semaphore(%arg18 : memref<!tpu.dma_semaphore, #tpu.memory_space<semaphore_mem>>) src(%dma_wait3A_140 : memref<16x128xf32, #tpu.memory_space<vmem>>) dst(%dma_wait3A_143 : memref<464x128xf32, #tpu.memory_space<hbm>>)
        %dma_wait3A_144 = arith.constant 0 : i32
        %dma_wait3A_145 = arith.constant 384 : i32
        %dma_wait3A_146 = tpu.memref_slice %arg16[%dma_wait3A_144, %dma_wait3A_145] : memref<16x768xf32, #tpu.memory_space<vmem>> -> memref<16x128xf32, #tpu.memory_space<vmem>>
        %dma_wait3A_147 = arith.constant 0 : i32
        %dma_wait3A_148 = arith.constant 0 : i32
        %dma_wait3A_149 = tpu.memref_slice %arg13[%dma_wait3A_147, %dma_wait3A_148] : memref<464x128xf32, #tpu.memory_space<hbm>> -> memref<464x128xf32, #tpu.memory_space<hbm>>
        tpu.wait_indirect_dma semaphore(%arg18 : memref<!tpu.dma_semaphore, #tpu.memory_space<semaphore_mem>>) src(%dma_wait3A_146 : memref<16x128xf32, #tpu.memory_space<vmem>>) dst(%dma_wait3A_149 : memref<464x128xf32, #tpu.memory_space<hbm>>)
        %dma_wait3A_150 = arith.constant 0 : i32
        %dma_wait3A_151 = arith.constant 512 : i32
        %dma_wait3A_152 = tpu.memref_slice %arg16[%dma_wait3A_150, %dma_wait3A_151] : memref<16x768xf32, #tpu.memory_space<vmem>> -> memref<16x128xf32, #tpu.memory_space<vmem>>
        %dma_wait3A_153 = arith.constant 0 : i32
        %dma_wait3A_154 = arith.constant 0 : i32
        %dma_wait3A_155 = tpu.memref_slice %arg13[%dma_wait3A_153, %dma_wait3A_154] : memref<464x128xf32, #tpu.memory_space<hbm>> -> memref<464x128xf32, #tpu.memory_space<hbm>>
        tpu.wait_indirect_dma semaphore(%arg18 : memref<!tpu.dma_semaphore, #tpu.memory_space<semaphore_mem>>) src(%dma_wait3A_152 : memref<16x128xf32, #tpu.memory_space<vmem>>) dst(%dma_wait3A_155 : memref<464x128xf32, #tpu.memory_space<hbm>>)
        %dma_wait3A_156 = arith.constant 0 : i32
        %dma_wait3A_157 = arith.constant 640 : i32
        %dma_wait3A_158 = tpu.memref_slice %arg16[%dma_wait3A_156, %dma_wait3A_157] : memref<16x768xf32, #tpu.memory_space<vmem>> -> memref<16x128xf32, #tpu.memory_space<vmem>>
        %dma_wait3A_159 = arith.constant 0 : i32
        %dma_wait3A_160 = arith.constant 0 : i32
        %dma_wait3A_161 = tpu.memref_slice %arg13[%dma_wait3A_159, %dma_wait3A_160] : memref<464x128xf32, #tpu.memory_space<hbm>> -> memref<464x128xf32, #tpu.memory_space<hbm>>
        tpu.wait_indirect_dma semaphore(%arg18 : memref<!tpu.dma_semaphore, #tpu.memory_space<semaphore_mem>>) src(%dma_wait3A_158 : memref<16x128xf32, #tpu.memory_space<vmem>>) dst(%dma_wait3A_161 : memref<464x128xf32, #tpu.memory_space<hbm>>)
      } else {
      }
      %eq3A = arith.constant 5 : i32
      %eq3A_34 = arith.cmpi eq, %sub3A_28, %eq3A : i32
      %convert_element_type3A_35 = arith.extui %eq3A_34 : i1 to i32
      %cond3A_36 = arith.constant 0 : i32
      %cond3A_37 = arith.cmpi ne, %convert_element_type3A_35, %cond3A_36 : i32
      scf.if %cond3A_37 {
        "tpu.region"() ({
          %run_scoped3A = tpu.sem_alloc : memref<!tpu.dma_semaphore, #tpu.memory_space<semaphore_mem>>
          tpu.enqueue_dma source(%arg5 : memref<72x128xf32, #tpu.memory_space<hbm>>) target(%arg17 : memref<72x128xf32, #tpu.memory_space<vmem>>) target_semaphore(%run_scoped3A : memref<!tpu.dma_semaphore, #tpu.memory_space<semaphore_mem>>)
          tpu.wait_dma2 semaphore(%run_scoped3A : memref<!tpu.dma_semaphore, #tpu.memory_space<semaphore_mem>>) src(%arg5 : memref<72x128xf32, #tpu.memory_space<hbm>>) dst(%arg17 : memref<72x128xf32, #tpu.memory_space<vmem>>)
          tpu.yield
        }) : () -> ()
        %add3A_38 = arith.constant 6 : i32
        %add3A_39 = vector.broadcast %add3A_38 : i32 to vector<16xi32>
        %add3A_40 = arith.addi %add3A_39, %iota3A : vector<16xi32>
        %dma_start3A = arith.constant 0 : i32
        %dma_start3A_41 = arith.constant 0 : i32
        %dma_start3A_42 = tpu.memref_slice %arg17[%dma_start3A, %dma_start3A_41] : memref<72x128xf32, #tpu.memory_space<vmem>> -> memref<16x128xf32, #tpu.memory_space<vmem>>
        %dma_start3A_43 = arith.constant 0 : i32
        %dma_start3A_44 = arith.constant 0 : i32
        %dma_start3A_45 = tpu.memref_slice %arg13[%dma_start3A_43, %dma_start3A_44] : memref<464x128xf32, #tpu.memory_space<hbm>> -> memref<464x128xf32, #tpu.memory_space<hbm>>
        tpu.enqueue_indirect_dma source(%dma_start3A_42 : memref<16x128xf32, #tpu.memory_space<vmem>>) target(%dma_start3A_45 : memref<464x128xf32, #tpu.memory_space<hbm>>) offsets(%add3A_40 : vector<16xi32>) semaphore(%arg18 : memref<!tpu.dma_semaphore, #tpu.memory_space<semaphore_mem>>)
        %add3A_46 = arith.constant 22 : i32
        %add3A_47 = vector.broadcast %add3A_46 : i32 to vector<16xi32>
        %add3A_48 = arith.addi %add3A_47, %iota3A : vector<16xi32>
        %dma_start3A_49 = arith.constant 16 : i32
        %dma_start3A_50 = arith.constant 0 : i32
        %dma_start3A_51 = tpu.memref_slice %arg17[%dma_start3A_49, %dma_start3A_50] : memref<72x128xf32, #tpu.memory_space<vmem>> -> memref<16x128xf32, #tpu.memory_space<vmem>>
        %dma_start3A_52 = arith.constant 0 : i32
        %dma_start3A_53 = arith.constant 0 : i32
        %dma_start3A_54 = tpu.memref_slice %arg13[%dma_start3A_52, %dma_start3A_53] : memref<464x128xf32, #tpu.memory_space<hbm>> -> memref<464x128xf32, #tpu.memory_space<hbm>>
        tpu.enqueue_indirect_dma source(%dma_start3A_51 : memref<16x128xf32, #tpu.memory_space<vmem>>) target(%dma_start3A_54 : memref<464x128xf32, #tpu.memory_space<hbm>>) offsets(%add3A_48 : vector<16xi32>) semaphore(%arg18 : memref<!tpu.dma_semaphore, #tpu.memory_space<semaphore_mem>>)
        %add3A_55 = arith.constant 38 : i32
        %add3A_56 = vector.broadcast %add3A_55 : i32 to vector<16xi32>
        %add3A_57 = arith.addi %add3A_56, %iota3A : vector<16xi32>
        %dma_start3A_58 = arith.constant 32 : i32
        %dma_start3A_59 = arith.constant 0 : i32
        %dma_start3A_60 = tpu.memref_slice %arg17[%dma_start3A_58, %dma_start3A_59] : memref<72x128xf32, #tpu.memory_space<vmem>> -> memref<16x128xf32, #tpu.memory_space<vmem>>
        %dma_start3A_61 = arith.constant 0 : i32
        %dma_start3A_62 = arith.constant 0 : i32
        %dma_start3A_63 = tpu.memref_slice %arg13[%dma_start3A_61, %dma_start3A_62] : memref<464x128xf32, #tpu.memory_space<hbm>> -> memref<464x128xf32, #tpu.memory_space<hbm>>
        tpu.enqueue_indirect_dma source(%dma_start3A_60 : memref<16x128xf32, #tpu.memory_space<vmem>>) target(%dma_start3A_63 : memref<464x128xf32, #tpu.memory_space<hbm>>) offsets(%add3A_57 : vector<16xi32>) semaphore(%arg18 : memref<!tpu.dma_semaphore, #tpu.memory_space<semaphore_mem>>)
        %add3A_64 = arith.constant 54 : i32
        %add3A_65 = vector.broadcast %add3A_64 : i32 to vector<16xi32>
        %add3A_66 = arith.addi %add3A_65, %iota3A : vector<16xi32>
        %dma_start3A_67 = arith.constant 48 : i32
        %dma_start3A_68 = arith.constant 0 : i32
        %dma_start3A_69 = tpu.memref_slice %arg17[%dma_start3A_67, %dma_start3A_68] : memref<72x128xf32, #tpu.memory_space<vmem>> -> memref<16x128xf32, #tpu.memory_space<vmem>>
        %dma_start3A_70 = arith.constant 0 : i32
        %dma_start3A_71 = arith.constant 0 : i32
        %dma_start3A_72 = tpu.memref_slice %arg13[%dma_start3A_70, %dma_start3A_71] : memref<464x128xf32, #tpu.memory_space<hbm>> -> memref<464x128xf32, #tpu.memory_space<hbm>>
        tpu.enqueue_indirect_dma source(%dma_start3A_69 : memref<16x128xf32, #tpu.memory_space<vmem>>) target(%dma_start3A_72 : memref<464x128xf32, #tpu.memory_space<hbm>>) offsets(%add3A_66 : vector<16xi32>) semaphore(%arg18 : memref<!tpu.dma_semaphore, #tpu.memory_space<semaphore_mem>>)
        %add3A_73 = arith.constant 62 : i32
        %add3A_74 = vector.broadcast %add3A_73 : i32 to vector<16xi32>
        %add3A_75 = arith.addi %add3A_74, %iota3A : vector<16xi32>
        %dma_start3A_76 = arith.constant 56 : i32
        %dma_start3A_77 = arith.constant 0 : i32
        %dma_start3A_78 = tpu.memref_slice %arg17[%dma_start3A_76, %dma_start3A_77] : memref<72x128xf32, #tpu.memory_space<vmem>> -> memref<16x128xf32, #tpu.memory_space<vmem>>
        %dma_start3A_79 = arith.constant 0 : i32
        %dma_start3A_80 = arith.constant 0 : i32
        %dma_start3A_81 = tpu.memref_slice %arg13[%dma_start3A_79, %dma_start3A_80] : memref<464x128xf32, #tpu.memory_space<hbm>> -> memref<464x128xf32, #tpu.memory_space<hbm>>
        tpu.enqueue_indirect_dma source(%dma_start3A_78 : memref<16x128xf32, #tpu.memory_space<vmem>>) target(%dma_start3A_81 : memref<464x128xf32, #tpu.memory_space<hbm>>) offsets(%add3A_75 : vector<16xi32>) semaphore(%arg18 : memref<!tpu.dma_semaphore, #tpu.memory_space<semaphore_mem>>)
        %dma_wait3A = arith.constant 0 : i32
        %dma_wait3A_82 = arith.constant 0 : i32
        %dma_wait3A_83 = tpu.memref_slice %arg17[%dma_wait3A, %dma_wait3A_82] : memref<72x128xf32, #tpu.memory_space<vmem>> -> memref<16x128xf32, #tpu.memory_space<vmem>>
        %dma_wait3A_84 = arith.constant 0 : i32
        %dma_wait3A_85 = arith.constant 0 : i32
        %dma_wait3A_86 = tpu.memref_slice %arg13[%dma_wait3A_84, %dma_wait3A_85] : memref<464x128xf32, #tpu.memory_space<hbm>> -> memref<464x128xf32, #tpu.memory_space<hbm>>
        tpu.wait_indirect_dma semaphore(%arg18 : memref<!tpu.dma_semaphore, #tpu.memory_space<semaphore_mem>>) src(%dma_wait3A_83 : memref<16x128xf32, #tpu.memory_space<vmem>>) dst(%dma_wait3A_86 : memref<464x128xf32, #tpu.memory_space<hbm>>)
        %dma_wait3A_87 = arith.constant 16 : i32
        %dma_wait3A_88 = arith.constant 0 : i32
        %dma_wait3A_89 = tpu.memref_slice %arg17[%dma_wait3A_87, %dma_wait3A_88] : memref<72x128xf32, #tpu.memory_space<vmem>> -> memref<16x128xf32, #tpu.memory_space<vmem>>
        %dma_wait3A_90 = arith.constant 0 : i32
        %dma_wait3A_91 = arith.constant 0 : i32
        %dma_wait3A_92 = tpu.memref_slice %arg13[%dma_wait3A_90, %dma_wait3A_91] : memref<464x128xf32, #tpu.memory_space<hbm>> -> memref<464x128xf32, #tpu.memory_space<hbm>>
        tpu.wait_indirect_dma semaphore(%arg18 : memref<!tpu.dma_semaphore, #tpu.memory_space<semaphore_mem>>) src(%dma_wait3A_89 : memref<16x128xf32, #tpu.memory_space<vmem>>) dst(%dma_wait3A_92 : memref<464x128xf32, #tpu.memory_space<hbm>>)
        %dma_wait3A_93 = arith.constant 32 : i32
        %dma_wait3A_94 = arith.constant 0 : i32
        %dma_wait3A_95 = tpu.memref_slice %arg17[%dma_wait3A_93, %dma_wait3A_94] : memref<72x128xf32, #tpu.memory_space<vmem>> -> memref<16x128xf32, #tpu.memory_space<vmem>>
        %dma_wait3A_96 = arith.constant 0 : i32
        %dma_wait3A_97 = arith.constant 0 : i32
        %dma_wait3A_98 = tpu.memref_slice %arg13[%dma_wait3A_96, %dma_wait3A_97] : memref<464x128xf32, #tpu.memory_space<hbm>> -> memref<464x128xf32, #tpu.memory_space<hbm>>
        tpu.wait_indirect_dma semaphore(%arg18 : memref<!tpu.dma_semaphore, #tpu.memory_space<semaphore_mem>>) src(%dma_wait3A_95 : memref<16x128xf32, #tpu.memory_space<vmem>>) dst(%dma_wait3A_98 : memref<464x128xf32, #tpu.memory_space<hbm>>)
        %dma_wait3A_99 = arith.constant 48 : i32
        %dma_wait3A_100 = arith.constant 0 : i32
        %dma_wait3A_101 = tpu.memref_slice %arg17[%dma_wait3A_99, %dma_wait3A_100] : memref<72x128xf32, #tpu.memory_space<vmem>> -> memref<16x128xf32, #tpu.memory_space<vmem>>
        %dma_wait3A_102 = arith.constant 0 : i32
        %dma_wait3A_103 = arith.constant 0 : i32
        %dma_wait3A_104 = tpu.memref_slice %arg13[%dma_wait3A_102, %dma_wait3A_103] : memref<464x128xf32, #tpu.memory_space<hbm>> -> memref<464x128xf32, #tpu.memory_space<hbm>>
        tpu.wait_indirect_dma semaphore(%arg18 : memref<!tpu.dma_semaphore, #tpu.memory_space<semaphore_mem>>) src(%dma_wait3A_101 : memref<16x128xf32, #tpu.memory_space<vmem>>) dst(%dma_wait3A_104 : memref<464x128xf32, #tpu.memory_space<hbm>>)
        %dma_wait3A_105 = arith.constant 56 : i32
        %dma_wait3A_106 = arith.constant 0 : i32
        %dma_wait3A_107 = tpu.memref_slice %arg17[%dma_wait3A_105, %dma_wait3A_106] : memref<72x128xf32, #tpu.memory_space<vmem>> -> memref<16x128xf32, #tpu.memory_space<vmem>>
        %dma_wait3A_108 = arith.constant 0 : i32
        %dma_wait3A_109 = arith.constant 0 : i32
        %dma_wait3A_110 = tpu.memref_slice %arg13[%dma_wait3A_108, %dma_wait3A_109] : memref<464x128xf32, #tpu.memory_space<hbm>> -> memref<464x128xf32, #tpu.memory_space<hbm>>
        tpu.wait_indirect_dma semaphore(%arg18 : memref<!tpu.dma_semaphore, #tpu.memory_space<semaphore_mem>>) src(%dma_wait3A_107 : memref<16x128xf32, #tpu.memory_space<vmem>>) dst(%dma_wait3A_110 : memref<464x128xf32, #tpu.memory_space<hbm>>)
      } else {
      }
    } else {
    }
    %ge3A_20 = arith.constant 18 : i32
    %ge3A_21 = arith.cmpi sge, %add3A, %ge3A_20 : i32
    %lt3A_22 = arith.constant 24 : i32
    %lt3A_23 = arith.cmpi slt, %add3A, %lt3A_22 : i32
    %and3A_24 = arith.andi %ge3A_21, %lt3A_23 : i1
    %convert_element_type3A_25 = arith.extui %and3A_24 : i1 to i32
    %cond3A_26 = arith.constant 0 : i32
    %cond3A_27 = arith.cmpi ne, %convert_element_type3A_25, %cond3A_26 : i32
    scf.if %cond3A_27 {
      %sub3A = arith.constant 18 : i32
      %sub3A_28 = arith.subi %add3A, %sub3A : i32
      %lt3A_29 = arith.constant 4 : i32
      %lt3A_30 = arith.cmpi slt, %sub3A_28, %lt3A_29 : i32
      %convert_element_type3A_31 = arith.extui %lt3A_30 : i1 to i32
      %cond3A_32 = arith.constant 0 : i32
      %cond3A_33 = arith.cmpi ne, %convert_element_type3A_31, %cond3A_32 : i32
      scf.if %cond3A_33 {
        "tpu.region"() ({
          %run_scoped3A = tpu.sem_alloc : memref<!tpu.dma_semaphore, #tpu.memory_space<semaphore_mem>>
          tpu.enqueue_dma source(%arg10 : memref<77xi32, #tpu.memory_space<hbm>>) target(%arg15 : memref<77xi32, #tpu.memory_space<vmem>>) target_semaphore(%run_scoped3A : memref<!tpu.dma_semaphore, #tpu.memory_space<semaphore_mem>>)
          tpu.wait_dma2 semaphore(%run_scoped3A : memref<!tpu.dma_semaphore, #tpu.memory_space<semaphore_mem>>) src(%arg10 : memref<77xi32, #tpu.memory_space<hbm>>) dst(%arg15 : memref<77xi32, #tpu.memory_space<vmem>>)
          tpu.yield
        }) : () -> ()
        %mul3A_43 = arith.constant 16 : i32
        %mul3A_44 = arith.muli %sub3A_28, %mul3A_43 : i32
        %add3A_45 = vector.broadcast %mul3A_44 : i32 to vector<16xi32>
        %add3A_46 = arith.addi %iota3A, %add3A_45 : vector<16xi32>
        %min3A = arith.constant 52 : i32
        %min3A_47 = vector.broadcast %min3A : i32 to vector<16xi32>
        %min3A_48 = arith.minsi %add3A_46, %min3A_47 : vector<16xi32>
        %lt3A_49 = arith.constant 1 : i32
        %lt3A_50 = vector.broadcast %lt3A_49 : i32 to vector<16xi32>
        %lt3A_51 = arith.cmpi slt, %min3A_48, %lt3A_50 : vector<16xi32>
        %add3A_52 = arith.constant 24 : i32
        %add3A_53 = vector.broadcast %add3A_52 : i32 to vector<16xi32>
        %add3A_54 = arith.addi %add3A_53, %min3A_48 : vector<16xi32>
        %jit3A = arith.constant 0 : i32
        %broadcast_in_dim3A = vector.broadcast %jit3A : i32 to vector<16xi32>
        %select_n3A = arith.select %lt3A_51, %broadcast_in_dim3A, %add3A_54 : vector<16xi1>, vector<16xi32>
        %gather3A = tpu.vector_load_idx %arg15[%select_n3A] : memref<77xi32, #tpu.memory_space<vmem>>[vector<16xi32>], vector<16xi32>,
        %dma_start3A = arith.constant 0 : i32
        %dma_start3A_55 = arith.constant 0 : i32
        %dma_start3A_56 = tpu.memref_slice %arg2[%dma_start3A, %dma_start3A_55] : memref<49408x768xf32, #tpu.memory_space<hbm>> -> memref<49408x768xf32, #tpu.memory_space<hbm>>
        tpu.enqueue_indirect_dma source(%dma_start3A_56 : memref<49408x768xf32, #tpu.memory_space<hbm>>) target(%arg16 : memref<16x768xf32, #tpu.memory_space<vmem>>) offsets(%gather3A : vector<16xi32>) semaphore(%arg18 : memref<!tpu.dma_semaphore, #tpu.memory_space<semaphore_mem>>)
        %dma_wait3A = arith.constant 0 : i32
        %dma_wait3A_57 = arith.constant 0 : i32
        %dma_wait3A_58 = tpu.memref_slice %arg2[%dma_wait3A, %dma_wait3A_57] : memref<49408x768xf32, #tpu.memory_space<hbm>> -> memref<49408x768xf32, #tpu.memory_space<hbm>>
        tpu.wait_indirect_dma semaphore(%arg18 : memref<!tpu.dma_semaphore, #tpu.memory_space<semaphore_mem>>) src(%dma_wait3A_58 : memref<49408x768xf32, #tpu.memory_space<hbm>>) dst(%arg16 : memref<16x768xf32, #tpu.memory_space<vmem>>)
        %mul3A_59 = arith.constant 6 : i32
        %mul3A_60 = vector.broadcast %mul3A_59 : i32 to vector<16xi32>
        %mul3A_61 = arith.muli %select_n3A, %mul3A_60 : vector<16xi32>
        %add3A_62 = arith.constant 0 : i32
        %add3A_63 = vector.broadcast %add3A_62 : i32 to vector<16xi32>
        %add3A_64 = arith.addi %mul3A_61, %add3A_63 : vector<16xi32>
        %dma_start3A_65 = arith.constant 0 : i32
        %dma_start3A_66 = arith.constant 0 : i32
        %dma_start3A_67 = tpu.memref_slice %arg16[%dma_start3A_65, %dma_start3A_66] : memref<16x768xf32, #tpu.memory_space<vmem>> -> memref<16x128xf32, #tpu.memory_space<vmem>>
        %dma_start3A_68 = arith.constant 0 : i32
        %dma_start3A_69 = arith.constant 0 : i32
        %dma_start3A_70 = tpu.memref_slice %arg14[%dma_start3A_68, %dma_start3A_69] : memref<464x128xf32, #tpu.memory_space<hbm>> -> memref<464x128xf32, #tpu.memory_space<hbm>>
        tpu.enqueue_indirect_dma source(%dma_start3A_67 : memref<16x128xf32, #tpu.memory_space<vmem>>) target(%dma_start3A_70 : memref<464x128xf32, #tpu.memory_space<hbm>>) offsets(%add3A_64 : vector<16xi32>) semaphore(%arg18 : memref<!tpu.dma_semaphore, #tpu.memory_space<semaphore_mem>>)
        %mul3A_71 = arith.constant 6 : i32
        %mul3A_72 = vector.broadcast %mul3A_71 : i32 to vector<16xi32>
        %mul3A_73 = arith.muli %select_n3A, %mul3A_72 : vector<16xi32>
        %add3A_74 = arith.constant 1 : i32
        %add3A_75 = vector.broadcast %add3A_74 : i32 to vector<16xi32>
        %add3A_76 = arith.addi %mul3A_73, %add3A_75 : vector<16xi32>
        %dma_start3A_77 = arith.constant 0 : i32
        %dma_start3A_78 = arith.constant 128 : i32
        %dma_start3A_79 = tpu.memref_slice %arg16[%dma_start3A_77, %dma_start3A_78] : memref<16x768xf32, #tpu.memory_space<vmem>> -> memref<16x128xf32, #tpu.memory_space<vmem>>
        %dma_start3A_80 = arith.constant 0 : i32
        %dma_start3A_81 = arith.constant 0 : i32
        %dma_start3A_82 = tpu.memref_slice %arg14[%dma_start3A_80, %dma_start3A_81] : memref<464x128xf32, #tpu.memory_space<hbm>> -> memref<464x128xf32, #tpu.memory_space<hbm>>
        tpu.enqueue_indirect_dma source(%dma_start3A_79 : memref<16x128xf32, #tpu.memory_space<vmem>>) target(%dma_start3A_82 : memref<464x128xf32, #tpu.memory_space<hbm>>) offsets(%add3A_76 : vector<16xi32>) semaphore(%arg18 : memref<!tpu.dma_semaphore, #tpu.memory_space<semaphore_mem>>)
        %mul3A_83 = arith.constant 6 : i32
        %mul3A_84 = vector.broadcast %mul3A_83 : i32 to vector<16xi32>
        %mul3A_85 = arith.muli %select_n3A, %mul3A_84 : vector<16xi32>
        %add3A_86 = arith.constant 2 : i32
        %add3A_87 = vector.broadcast %add3A_86 : i32 to vector<16xi32>
        %add3A_88 = arith.addi %mul3A_85, %add3A_87 : vector<16xi32>
        %dma_start3A_89 = arith.constant 0 : i32
        %dma_start3A_90 = arith.constant 256 : i32
        %dma_start3A_91 = tpu.memref_slice %arg16[%dma_start3A_89, %dma_start3A_90] : memref<16x768xf32, #tpu.memory_space<vmem>> -> memref<16x128xf32, #tpu.memory_space<vmem>>
        %dma_start3A_92 = arith.constant 0 : i32
        %dma_start3A_93 = arith.constant 0 : i32
        %dma_start3A_94 = tpu.memref_slice %arg14[%dma_start3A_92, %dma_start3A_93] : memref<464x128xf32, #tpu.memory_space<hbm>> -> memref<464x128xf32, #tpu.memory_space<hbm>>
        tpu.enqueue_indirect_dma source(%dma_start3A_91 : memref<16x128xf32, #tpu.memory_space<vmem>>) target(%dma_start3A_94 : memref<464x128xf32, #tpu.memory_space<hbm>>) offsets(%add3A_88 : vector<16xi32>) semaphore(%arg18 : memref<!tpu.dma_semaphore, #tpu.memory_space<semaphore_mem>>)
        %mul3A_95 = arith.constant 6 : i32
        %mul3A_96 = vector.broadcast %mul3A_95 : i32 to vector<16xi32>
        %mul3A_97 = arith.muli %select_n3A, %mul3A_96 : vector<16xi32>
        %add3A_98 = arith.constant 3 : i32
        %add3A_99 = vector.broadcast %add3A_98 : i32 to vector<16xi32>
        %add3A_100 = arith.addi %mul3A_97, %add3A_99 : vector<16xi32>
        %dma_start3A_101 = arith.constant 0 : i32
        %dma_start3A_102 = arith.constant 384 : i32
        %dma_start3A_103 = tpu.memref_slice %arg16[%dma_start3A_101, %dma_start3A_102] : memref<16x768xf32, #tpu.memory_space<vmem>> -> memref<16x128xf32, #tpu.memory_space<vmem>>
        %dma_start3A_104 = arith.constant 0 : i32
        %dma_start3A_105 = arith.constant 0 : i32
        %dma_start3A_106 = tpu.memref_slice %arg14[%dma_start3A_104, %dma_start3A_105] : memref<464x128xf32, #tpu.memory_space<hbm>> -> memref<464x128xf32, #tpu.memory_space<hbm>>
        tpu.enqueue_indirect_dma source(%dma_start3A_103 : memref<16x128xf32, #tpu.memory_space<vmem>>) target(%dma_start3A_106 : memref<464x128xf32, #tpu.memory_space<hbm>>) offsets(%add3A_100 : vector<16xi32>) semaphore(%arg18 : memref<!tpu.dma_semaphore, #tpu.memory_space<semaphore_mem>>)
        %mul3A_107 = arith.constant 6 : i32
        %mul3A_108 = vector.broadcast %mul3A_107 : i32 to vector<16xi32>
        %mul3A_109 = arith.muli %select_n3A, %mul3A_108 : vector<16xi32>
        %add3A_110 = arith.constant 4 : i32
        %add3A_111 = vector.broadcast %add3A_110 : i32 to vector<16xi32>
        %add3A_112 = arith.addi %mul3A_109, %add3A_111 : vector<16xi32>
        %dma_start3A_113 = arith.constant 0 : i32
        %dma_start3A_114 = arith.constant 512 : i32
        %dma_start3A_115 = tpu.memref_slice %arg16[%dma_start3A_113, %dma_start3A_114] : memref<16x768xf32, #tpu.memory_space<vmem>> -> memref<16x128xf32, #tpu.memory_space<vmem>>
        %dma_start3A_116 = arith.constant 0 : i32
        %dma_start3A_117 = arith.constant 0 : i32
        %dma_start3A_118 = tpu.memref_slice %arg14[%dma_start3A_116, %dma_start3A_117] : memref<464x128xf32, #tpu.memory_space<hbm>> -> memref<464x128xf32, #tpu.memory_space<hbm>>
        tpu.enqueue_indirect_dma source(%dma_start3A_115 : memref<16x128xf32, #tpu.memory_space<vmem>>) target(%dma_start3A_118 : memref<464x128xf32, #tpu.memory_space<hbm>>) offsets(%add3A_112 : vector<16xi32>) semaphore(%arg18 : memref<!tpu.dma_semaphore, #tpu.memory_space<semaphore_mem>>)
        %mul3A_119 = arith.constant 6 : i32
        %mul3A_120 = vector.broadcast %mul3A_119 : i32 to vector<16xi32>
        %mul3A_121 = arith.muli %select_n3A, %mul3A_120 : vector<16xi32>
        %add3A_122 = arith.constant 5 : i32
        %add3A_123 = vector.broadcast %add3A_122 : i32 to vector<16xi32>
        %add3A_124 = arith.addi %mul3A_121, %add3A_123 : vector<16xi32>
        %dma_start3A_125 = arith.constant 0 : i32
        %dma_start3A_126 = arith.constant 640 : i32
        %dma_start3A_127 = tpu.memref_slice %arg16[%dma_start3A_125, %dma_start3A_126] : memref<16x768xf32, #tpu.memory_space<vmem>> -> memref<16x128xf32, #tpu.memory_space<vmem>>
        %dma_start3A_128 = arith.constant 0 : i32
        %dma_start3A_129 = arith.constant 0 : i32
        %dma_start3A_130 = tpu.memref_slice %arg14[%dma_start3A_128, %dma_start3A_129] : memref<464x128xf32, #tpu.memory_space<hbm>> -> memref<464x128xf32, #tpu.memory_space<hbm>>
        tpu.enqueue_indirect_dma source(%dma_start3A_127 : memref<16x128xf32, #tpu.memory_space<vmem>>) target(%dma_start3A_130 : memref<464x128xf32, #tpu.memory_space<hbm>>) offsets(%add3A_124 : vector<16xi32>) semaphore(%arg18 : memref<!tpu.dma_semaphore, #tpu.memory_space<semaphore_mem>>)
        %dma_wait3A_131 = arith.constant 0 : i32
        %dma_wait3A_132 = arith.constant 0 : i32
        %dma_wait3A_133 = tpu.memref_slice %arg16[%dma_wait3A_131, %dma_wait3A_132] : memref<16x768xf32, #tpu.memory_space<vmem>> -> memref<16x128xf32, #tpu.memory_space<vmem>>
        %dma_wait3A_134 = arith.constant 0 : i32
        %dma_wait3A_135 = arith.constant 0 : i32
        %dma_wait3A_136 = tpu.memref_slice %arg14[%dma_wait3A_134, %dma_wait3A_135] : memref<464x128xf32, #tpu.memory_space<hbm>> -> memref<464x128xf32, #tpu.memory_space<hbm>>
        tpu.wait_indirect_dma semaphore(%arg18 : memref<!tpu.dma_semaphore, #tpu.memory_space<semaphore_mem>>) src(%dma_wait3A_133 : memref<16x128xf32, #tpu.memory_space<vmem>>) dst(%dma_wait3A_136 : memref<464x128xf32, #tpu.memory_space<hbm>>)
        %dma_wait3A_137 = arith.constant 0 : i32
        %dma_wait3A_138 = arith.constant 128 : i32
        %dma_wait3A_139 = tpu.memref_slice %arg16[%dma_wait3A_137, %dma_wait3A_138] : memref<16x768xf32, #tpu.memory_space<vmem>> -> memref<16x128xf32, #tpu.memory_space<vmem>>
        %dma_wait3A_140 = arith.constant 0 : i32
        %dma_wait3A_141 = arith.constant 0 : i32
        %dma_wait3A_142 = tpu.memref_slice %arg14[%dma_wait3A_140, %dma_wait3A_141] : memref<464x128xf32, #tpu.memory_space<hbm>> -> memref<464x128xf32, #tpu.memory_space<hbm>>
        tpu.wait_indirect_dma semaphore(%arg18 : memref<!tpu.dma_semaphore, #tpu.memory_space<semaphore_mem>>) src(%dma_wait3A_139 : memref<16x128xf32, #tpu.memory_space<vmem>>) dst(%dma_wait3A_142 : memref<464x128xf32, #tpu.memory_space<hbm>>)
        %dma_wait3A_143 = arith.constant 0 : i32
        %dma_wait3A_144 = arith.constant 256 : i32
        %dma_wait3A_145 = tpu.memref_slice %arg16[%dma_wait3A_143, %dma_wait3A_144] : memref<16x768xf32, #tpu.memory_space<vmem>> -> memref<16x128xf32, #tpu.memory_space<vmem>>
        %dma_wait3A_146 = arith.constant 0 : i32
        %dma_wait3A_147 = arith.constant 0 : i32
        %dma_wait3A_148 = tpu.memref_slice %arg14[%dma_wait3A_146, %dma_wait3A_147] : memref<464x128xf32, #tpu.memory_space<hbm>> -> memref<464x128xf32, #tpu.memory_space<hbm>>
        tpu.wait_indirect_dma semaphore(%arg18 : memref<!tpu.dma_semaphore, #tpu.memory_space<semaphore_mem>>) src(%dma_wait3A_145 : memref<16x128xf32, #tpu.memory_space<vmem>>) dst(%dma_wait3A_148 : memref<464x128xf32, #tpu.memory_space<hbm>>)
        %dma_wait3A_149 = arith.constant 0 : i32
        %dma_wait3A_150 = arith.constant 384 : i32
        %dma_wait3A_151 = tpu.memref_slice %arg16[%dma_wait3A_149, %dma_wait3A_150] : memref<16x768xf32, #tpu.memory_space<vmem>> -> memref<16x128xf32, #tpu.memory_space<vmem>>
        %dma_wait3A_152 = arith.constant 0 : i32
        %dma_wait3A_153 = arith.constant 0 : i32
        %dma_wait3A_154 = tpu.memref_slice %arg14[%dma_wait3A_152, %dma_wait3A_153] : memref<464x128xf32, #tpu.memory_space<hbm>> -> memref<464x128xf32, #tpu.memory_space<hbm>>
        tpu.wait_indirect_dma semaphore(%arg18 : memref<!tpu.dma_semaphore, #tpu.memory_space<semaphore_mem>>) src(%dma_wait3A_151 : memref<16x128xf32, #tpu.memory_space<vmem>>) dst(%dma_wait3A_154 : memref<464x128xf32, #tpu.memory_space<hbm>>)
        %dma_wait3A_155 = arith.constant 0 : i32
        %dma_wait3A_156 = arith.constant 512 : i32
        %dma_wait3A_157 = tpu.memref_slice %arg16[%dma_wait3A_155, %dma_wait3A_156] : memref<16x768xf32, #tpu.memory_space<vmem>> -> memref<16x128xf32, #tpu.memory_space<vmem>>
        %dma_wait3A_158 = arith.constant 0 : i32
        %dma_wait3A_159 = arith.constant 0 : i32
        %dma_wait3A_160 = tpu.memref_slice %arg14[%dma_wait3A_158, %dma_wait3A_159] : memref<464x128xf32, #tpu.memory_space<hbm>> -> memref<464x128xf32, #tpu.memory_space<hbm>>
        tpu.wait_indirect_dma semaphore(%arg18 : memref<!tpu.dma_semaphore, #tpu.memory_space<semaphore_mem>>) src(%dma_wait3A_157 : memref<16x128xf32, #tpu.memory_space<vmem>>) dst(%dma_wait3A_160 : memref<464x128xf32, #tpu.memory_space<hbm>>)
        %dma_wait3A_161 = arith.constant 0 : i32
        %dma_wait3A_162 = arith.constant 640 : i32
        %dma_wait3A_163 = tpu.memref_slice %arg16[%dma_wait3A_161, %dma_wait3A_162] : memref<16x768xf32, #tpu.memory_space<vmem>> -> memref<16x128xf32, #tpu.memory_space<vmem>>
        %dma_wait3A_164 = arith.constant 0 : i32
        %dma_wait3A_165 = arith.constant 0 : i32
        %dma_wait3A_166 = tpu.memref_slice %arg14[%dma_wait3A_164, %dma_wait3A_165] : memref<464x128xf32, #tpu.memory_space<hbm>> -> memref<464x128xf32, #tpu.memory_space<hbm>>
        tpu.wait_indirect_dma semaphore(%arg18 : memref<!tpu.dma_semaphore, #tpu.memory_space<semaphore_mem>>) src(%dma_wait3A_163 : memref<16x128xf32, #tpu.memory_space<vmem>>) dst(%dma_wait3A_166 : memref<464x128xf32, #tpu.memory_space<hbm>>)
      } else {
      }
      %eq3A = arith.constant 4 : i32
      %eq3A_34 = arith.cmpi eq, %sub3A_28, %eq3A : i32
      %convert_element_type3A_35 = arith.extui %eq3A_34 : i1 to i32
      %cond3A_36 = arith.constant 0 : i32
      %cond3A_37 = arith.cmpi ne, %convert_element_type3A_35, %cond3A_36 : i32
      scf.if %cond3A_37 {
        "tpu.region"() ({
          %run_scoped3A = tpu.sem_alloc : memref<!tpu.dma_semaphore, #tpu.memory_space<semaphore_mem>>
          tpu.enqueue_dma source(%arg5 : memref<72x128xf32, #tpu.memory_space<hbm>>) target(%arg17 : memref<72x128xf32, #tpu.memory_space<vmem>>) target_semaphore(%run_scoped3A : memref<!tpu.dma_semaphore, #tpu.memory_space<semaphore_mem>>)
          tpu.wait_dma2 semaphore(%run_scoped3A : memref<!tpu.dma_semaphore, #tpu.memory_space<semaphore_mem>>) src(%arg5 : memref<72x128xf32, #tpu.memory_space<hbm>>) dst(%arg17 : memref<72x128xf32, #tpu.memory_space<vmem>>)
          tpu.yield
        }) : () -> ()
        %add3A_43 = arith.constant 6 : i32
        %add3A_44 = vector.broadcast %add3A_43 : i32 to vector<16xi32>
        %add3A_45 = arith.addi %add3A_44, %iota3A : vector<16xi32>
        %dma_start3A = arith.constant 0 : i32
        %dma_start3A_46 = arith.constant 0 : i32
        %dma_start3A_47 = tpu.memref_slice %arg17[%dma_start3A, %dma_start3A_46] : memref<72x128xf32, #tpu.memory_space<vmem>> -> memref<16x128xf32, #tpu.memory_space<vmem>>
        %dma_start3A_48 = arith.constant 0 : i32
        %dma_start3A_49 = arith.constant 0 : i32
        %dma_start3A_50 = tpu.memref_slice %arg14[%dma_start3A_48, %dma_start3A_49] : memref<464x128xf32, #tpu.memory_space<hbm>> -> memref<464x128xf32, #tpu.memory_space<hbm>>
        tpu.enqueue_indirect_dma source(%dma_start3A_47 : memref<16x128xf32, #tpu.memory_space<vmem>>) target(%dma_start3A_50 : memref<464x128xf32, #tpu.memory_space<hbm>>) offsets(%add3A_45 : vector<16xi32>) semaphore(%arg18 : memref<!tpu.dma_semaphore, #tpu.memory_space<semaphore_mem>>)
        %add3A_51 = arith.constant 22 : i32
        %add3A_52 = vector.broadcast %add3A_51 : i32 to vector<16xi32>
        %add3A_53 = arith.addi %add3A_52, %iota3A : vector<16xi32>
        %dma_start3A_54 = arith.constant 16 : i32
        %dma_start3A_55 = arith.constant 0 : i32
        %dma_start3A_56 = tpu.memref_slice %arg17[%dma_start3A_54, %dma_start3A_55] : memref<72x128xf32, #tpu.memory_space<vmem>> -> memref<16x128xf32, #tpu.memory_space<vmem>>
        %dma_start3A_57 = arith.constant 0 : i32
        %dma_start3A_58 = arith.constant 0 : i32
        %dma_start3A_59 = tpu.memref_slice %arg14[%dma_start3A_57, %dma_start3A_58] : memref<464x128xf32, #tpu.memory_space<hbm>> -> memref<464x128xf32, #tpu.memory_space<hbm>>
        tpu.enqueue_indirect_dma source(%dma_start3A_56 : memref<16x128xf32, #tpu.memory_space<vmem>>) target(%dma_start3A_59 : memref<464x128xf32, #tpu.memory_space<hbm>>) offsets(%add3A_53 : vector<16xi32>) semaphore(%arg18 : memref<!tpu.dma_semaphore, #tpu.memory_space<semaphore_mem>>)
        %add3A_60 = arith.constant 38 : i32
        %add3A_61 = vector.broadcast %add3A_60 : i32 to vector<16xi32>
        %add3A_62 = arith.addi %add3A_61, %iota3A : vector<16xi32>
        %dma_start3A_63 = arith.constant 32 : i32
        %dma_start3A_64 = arith.constant 0 : i32
        %dma_start3A_65 = tpu.memref_slice %arg17[%dma_start3A_63, %dma_start3A_64] : memref<72x128xf32, #tpu.memory_space<vmem>> -> memref<16x128xf32, #tpu.memory_space<vmem>>
        %dma_start3A_66 = arith.constant 0 : i32
        %dma_start3A_67 = arith.constant 0 : i32
        %dma_start3A_68 = tpu.memref_slice %arg14[%dma_start3A_66, %dma_start3A_67] : memref<464x128xf32, #tpu.memory_space<hbm>> -> memref<464x128xf32, #tpu.memory_space<hbm>>
        tpu.enqueue_indirect_dma source(%dma_start3A_65 : memref<16x128xf32, #tpu.memory_space<vmem>>) target(%dma_start3A_68 : memref<464x128xf32, #tpu.memory_space<hbm>>) offsets(%add3A_62 : vector<16xi32>) semaphore(%arg18 : memref<!tpu.dma_semaphore, #tpu.memory_space<semaphore_mem>>)
        %add3A_69 = arith.constant 54 : i32
        %add3A_70 = vector.broadcast %add3A_69 : i32 to vector<16xi32>
        %add3A_71 = arith.addi %add3A_70, %iota3A : vector<16xi32>
        %dma_start3A_72 = arith.constant 48 : i32
        %dma_start3A_73 = arith.constant 0 : i32
        %dma_start3A_74 = tpu.memref_slice %arg17[%dma_start3A_72, %dma_start3A_73] : memref<72x128xf32, #tpu.memory_space<vmem>> -> memref<16x128xf32, #tpu.memory_space<vmem>>
        %dma_start3A_75 = arith.constant 0 : i32
        %dma_start3A_76 = arith.constant 0 : i32
        %dma_start3A_77 = tpu.memref_slice %arg14[%dma_start3A_75, %dma_start3A_76] : memref<464x128xf32, #tpu.memory_space<hbm>> -> memref<464x128xf32, #tpu.memory_space<hbm>>
        tpu.enqueue_indirect_dma source(%dma_start3A_74 : memref<16x128xf32, #tpu.memory_space<vmem>>) target(%dma_start3A_77 : memref<464x128xf32, #tpu.memory_space<hbm>>) offsets(%add3A_71 : vector<16xi32>) semaphore(%arg18 : memref<!tpu.dma_semaphore, #tpu.memory_space<semaphore_mem>>)
        %add3A_78 = arith.constant 62 : i32
        %add3A_79 = vector.broadcast %add3A_78 : i32 to vector<16xi32>
        %add3A_80 = arith.addi %add3A_79, %iota3A : vector<16xi32>
        %dma_start3A_81 = arith.constant 56 : i32
        %dma_start3A_82 = arith.constant 0 : i32
        %dma_start3A_83 = tpu.memref_slice %arg17[%dma_start3A_81, %dma_start3A_82] : memref<72x128xf32, #tpu.memory_space<vmem>> -> memref<16x128xf32, #tpu.memory_space<vmem>>
        %dma_start3A_84 = arith.constant 0 : i32
        %dma_start3A_85 = arith.constant 0 : i32
        %dma_start3A_86 = tpu.memref_slice %arg14[%dma_start3A_84, %dma_start3A_85] : memref<464x128xf32, #tpu.memory_space<hbm>> -> memref<464x128xf32, #tpu.memory_space<hbm>>
        tpu.enqueue_indirect_dma source(%dma_start3A_83 : memref<16x128xf32, #tpu.memory_space<vmem>>) target(%dma_start3A_86 : memref<464x128xf32, #tpu.memory_space<hbm>>) offsets(%add3A_80 : vector<16xi32>) semaphore(%arg18 : memref<!tpu.dma_semaphore, #tpu.memory_space<semaphore_mem>>)
        %dma_wait3A = arith.constant 0 : i32
        %dma_wait3A_87 = arith.constant 0 : i32
        %dma_wait3A_88 = tpu.memref_slice %arg17[%dma_wait3A, %dma_wait3A_87] : memref<72x128xf32, #tpu.memory_space<vmem>> -> memref<16x128xf32, #tpu.memory_space<vmem>>
        %dma_wait3A_89 = arith.constant 0 : i32
        %dma_wait3A_90 = arith.constant 0 : i32
        %dma_wait3A_91 = tpu.memref_slice %arg14[%dma_wait3A_89, %dma_wait3A_90] : memref<464x128xf32, #tpu.memory_space<hbm>> -> memref<464x128xf32, #tpu.memory_space<hbm>>
        tpu.wait_indirect_dma semaphore(%arg18 : memref<!tpu.dma_semaphore, #tpu.memory_space<semaphore_mem>>) src(%dma_wait3A_88 : memref<16x128xf32, #tpu.memory_space<vmem>>) dst(%dma_wait3A_91 : memref<464x128xf32, #tpu.memory_space<hbm>>)
        %dma_wait3A_92 = arith.constant 16 : i32
        %dma_wait3A_93 = arith.constant 0 : i32
        %dma_wait3A_94 = tpu.memref_slice %arg17[%dma_wait3A_92, %dma_wait3A_93] : memref<72x128xf32, #tpu.memory_space<vmem>> -> memref<16x128xf32, #tpu.memory_space<vmem>>
        %dma_wait3A_95 = arith.constant 0 : i32
        %dma_wait3A_96 = arith.constant 0 : i32
        %dma_wait3A_97 = tpu.memref_slice %arg14[%dma_wait3A_95, %dma_wait3A_96] : memref<464x128xf32, #tpu.memory_space<hbm>> -> memref<464x128xf32, #tpu.memory_space<hbm>>
        tpu.wait_indirect_dma semaphore(%arg18 : memref<!tpu.dma_semaphore, #tpu.memory_space<semaphore_mem>>) src(%dma_wait3A_94 : memref<16x128xf32, #tpu.memory_space<vmem>>) dst(%dma_wait3A_97 : memref<464x128xf32, #tpu.memory_space<hbm>>)
        %dma_wait3A_98 = arith.constant 32 : i32
        %dma_wait3A_99 = arith.constant 0 : i32
        %dma_wait3A_100 = tpu.memref_slice %arg17[%dma_wait3A_98, %dma_wait3A_99] : memref<72x128xf32, #tpu.memory_space<vmem>> -> memref<16x128xf32, #tpu.memory_space<vmem>>
        %dma_wait3A_101 = arith.constant 0 : i32
        %dma_wait3A_102 = arith.constant 0 : i32
        %dma_wait3A_103 = tpu.memref_slice %arg14[%dma_wait3A_101, %dma_wait3A_102] : memref<464x128xf32, #tpu.memory_space<hbm>> -> memref<464x128xf32, #tpu.memory_space<hbm>>
        tpu.wait_indirect_dma semaphore(%arg18 : memref<!tpu.dma_semaphore, #tpu.memory_space<semaphore_mem>>) src(%dma_wait3A_100 : memref<16x128xf32, #tpu.memory_space<vmem>>) dst(%dma_wait3A_103 : memref<464x128xf32, #tpu.memory_space<hbm>>)
        %dma_wait3A_104 = arith.constant 48 : i32
        %dma_wait3A_105 = arith.constant 0 : i32
        %dma_wait3A_106 = tpu.memref_slice %arg17[%dma_wait3A_104, %dma_wait3A_105] : memref<72x128xf32, #tpu.memory_space<vmem>> -> memref<16x128xf32, #tpu.memory_space<vmem>>
        %dma_wait3A_107 = arith.constant 0 : i32
        %dma_wait3A_108 = arith.constant 0 : i32
        %dma_wait3A_109 = tpu.memref_slice %arg14[%dma_wait3A_107, %dma_wait3A_108] : memref<464x128xf32, #tpu.memory_space<hbm>> -> memref<464x128xf32, #tpu.memory_space<hbm>>
        tpu.wait_indirect_dma semaphore(%arg18 : memref<!tpu.dma_semaphore, #tpu.memory_space<semaphore_mem>>) src(%dma_wait3A_106 : memref<16x128xf32, #tpu.memory_space<vmem>>) dst(%dma_wait3A_109 : memref<464x128xf32, #tpu.memory_space<hbm>>)
        %dma_wait3A_110 = arith.constant 56 : i32
        %dma_wait3A_111 = arith.constant 0 : i32
        %dma_wait3A_112 = tpu.memref_slice %arg17[%dma_wait3A_110, %dma_wait3A_111] : memref<72x128xf32, #tpu.memory_space<vmem>> -> memref<16x128xf32, #tpu.memory_space<vmem>>
        %dma_wait3A_113 = arith.constant 0 : i32
        %dma_wait3A_114 = arith.constant 0 : i32
        %dma_wait3A_115 = tpu.memref_slice %arg14[%dma_wait3A_113, %dma_wait3A_114] : memref<464x128xf32, #tpu.memory_space<hbm>> -> memref<464x128xf32, #tpu.memory_space<hbm>>
        tpu.wait_indirect_dma semaphore(%arg18 : memref<!tpu.dma_semaphore, #tpu.memory_space<semaphore_mem>>) src(%dma_wait3A_112 : memref<16x128xf32, #tpu.memory_space<vmem>>) dst(%dma_wait3A_115 : memref<464x128xf32, #tpu.memory_space<hbm>>)
      } else {
      }
      %eq3A_38 = arith.constant 5 : i32
      %eq3A_39 = arith.cmpi eq, %sub3A_28, %eq3A_38 : i32
      %convert_element_type3A_40 = arith.extui %eq3A_39 : i1 to i32
      %cond3A_41 = arith.constant 0 : i32
      %cond3A_42 = arith.cmpi ne, %convert_element_type3A_40, %cond3A_41 : i32
      scf.if %cond3A_42 {
        "tpu.region"() ({
          %run_scoped3A = tpu.sem_alloc : memref<!tpu.dma_semaphore, #tpu.memory_space<semaphore_mem>>
          tpu.enqueue_dma source(%arg6 : memref<72x128xf32, #tpu.memory_space<hbm>>) target(%arg17 : memref<72x128xf32, #tpu.memory_space<vmem>>) target_semaphore(%run_scoped3A : memref<!tpu.dma_semaphore, #tpu.memory_space<semaphore_mem>>)
          tpu.wait_dma2 semaphore(%run_scoped3A : memref<!tpu.dma_semaphore, #tpu.memory_space<semaphore_mem>>) src(%arg6 : memref<72x128xf32, #tpu.memory_space<hbm>>) dst(%arg17 : memref<72x128xf32, #tpu.memory_space<vmem>>)
          tpu.yield
        }) : () -> ()
        %add3A_43 = arith.constant 78 : i32
        %add3A_44 = vector.broadcast %add3A_43 : i32 to vector<16xi32>
        %add3A_45 = arith.addi %add3A_44, %iota3A : vector<16xi32>
        %dma_start3A = arith.constant 0 : i32
        %dma_start3A_46 = arith.constant 0 : i32
        %dma_start3A_47 = tpu.memref_slice %arg17[%dma_start3A, %dma_start3A_46] : memref<72x128xf32, #tpu.memory_space<vmem>> -> memref<16x128xf32, #tpu.memory_space<vmem>>
        %dma_start3A_48 = arith.constant 0 : i32
        %dma_start3A_49 = arith.constant 0 : i32
        %dma_start3A_50 = tpu.memref_slice %arg14[%dma_start3A_48, %dma_start3A_49] : memref<464x128xf32, #tpu.memory_space<hbm>> -> memref<464x128xf32, #tpu.memory_space<hbm>>
        tpu.enqueue_indirect_dma source(%dma_start3A_47 : memref<16x128xf32, #tpu.memory_space<vmem>>) target(%dma_start3A_50 : memref<464x128xf32, #tpu.memory_space<hbm>>) offsets(%add3A_45 : vector<16xi32>) semaphore(%arg18 : memref<!tpu.dma_semaphore, #tpu.memory_space<semaphore_mem>>)
        %add3A_51 = arith.constant 94 : i32
        %add3A_52 = vector.broadcast %add3A_51 : i32 to vector<16xi32>
        %add3A_53 = arith.addi %add3A_52, %iota3A : vector<16xi32>
        %dma_start3A_54 = arith.constant 16 : i32
        %dma_start3A_55 = arith.constant 0 : i32
        %dma_start3A_56 = tpu.memref_slice %arg17[%dma_start3A_54, %dma_start3A_55] : memref<72x128xf32, #tpu.memory_space<vmem>> -> memref<16x128xf32, #tpu.memory_space<vmem>>
        %dma_start3A_57 = arith.constant 0 : i32
        %dma_start3A_58 = arith.constant 0 : i32
        %dma_start3A_59 = tpu.memref_slice %arg14[%dma_start3A_57, %dma_start3A_58] : memref<464x128xf32, #tpu.memory_space<hbm>> -> memref<464x128xf32, #tpu.memory_space<hbm>>
        tpu.enqueue_indirect_dma source(%dma_start3A_56 : memref<16x128xf32, #tpu.memory_space<vmem>>) target(%dma_start3A_59 : memref<464x128xf32, #tpu.memory_space<hbm>>) offsets(%add3A_53 : vector<16xi32>) semaphore(%arg18 : memref<!tpu.dma_semaphore, #tpu.memory_space<semaphore_mem>>)
        %add3A_60 = arith.constant 110 : i32
        %add3A_61 = vector.broadcast %add3A_60 : i32 to vector<16xi32>
        %add3A_62 = arith.addi %add3A_61, %iota3A : vector<16xi32>
        %dma_start3A_63 = arith.constant 32 : i32
        %dma_start3A_64 = arith.constant 0 : i32
        %dma_start3A_65 = tpu.memref_slice %arg17[%dma_start3A_63, %dma_start3A_64] : memref<72x128xf32, #tpu.memory_space<vmem>> -> memref<16x128xf32, #tpu.memory_space<vmem>>
        %dma_start3A_66 = arith.constant 0 : i32
        %dma_start3A_67 = arith.constant 0 : i32
        %dma_start3A_68 = tpu.memref_slice %arg14[%dma_start3A_66, %dma_start3A_67] : memref<464x128xf32, #tpu.memory_space<hbm>> -> memref<464x128xf32, #tpu.memory_space<hbm>>
        tpu.enqueue_indirect_dma source(%dma_start3A_65 : memref<16x128xf32, #tpu.memory_space<vmem>>) target(%dma_start3A_68 : memref<464x128xf32, #tpu.memory_space<hbm>>) offsets(%add3A_62 : vector<16xi32>) semaphore(%arg18 : memref<!tpu.dma_semaphore, #tpu.memory_space<semaphore_mem>>)
        %add3A_69 = arith.constant 126 : i32
        %add3A_70 = vector.broadcast %add3A_69 : i32 to vector<16xi32>
        %add3A_71 = arith.addi %add3A_70, %iota3A : vector<16xi32>
        %dma_start3A_72 = arith.constant 48 : i32
        %dma_start3A_73 = arith.constant 0 : i32
        %dma_start3A_74 = tpu.memref_slice %arg17[%dma_start3A_72, %dma_start3A_73] : memref<72x128xf32, #tpu.memory_space<vmem>> -> memref<16x128xf32, #tpu.memory_space<vmem>>
        %dma_start3A_75 = arith.constant 0 : i32
        %dma_start3A_76 = arith.constant 0 : i32
        %dma_start3A_77 = tpu.memref_slice %arg14[%dma_start3A_75, %dma_start3A_76] : memref<464x128xf32, #tpu.memory_space<hbm>> -> memref<464x128xf32, #tpu.memory_space<hbm>>
        tpu.enqueue_indirect_dma source(%dma_start3A_74 : memref<16x128xf32, #tpu.memory_space<vmem>>) target(%dma_start3A_77 : memref<464x128xf32, #tpu.memory_space<hbm>>) offsets(%add3A_71 : vector<16xi32>) semaphore(%arg18 : memref<!tpu.dma_semaphore, #tpu.memory_space<semaphore_mem>>)
        %add3A_78 = arith.constant 134 : i32
        %add3A_79 = vector.broadcast %add3A_78 : i32 to vector<16xi32>
        %add3A_80 = arith.addi %add3A_79, %iota3A : vector<16xi32>
        %dma_start3A_81 = arith.constant 56 : i32
        %dma_start3A_82 = arith.constant 0 : i32
        %dma_start3A_83 = tpu.memref_slice %arg17[%dma_start3A_81, %dma_start3A_82] : memref<72x128xf32, #tpu.memory_space<vmem>> -> memref<16x128xf32, #tpu.memory_space<vmem>>
        %dma_start3A_84 = arith.constant 0 : i32
        %dma_start3A_85 = arith.constant 0 : i32
        %dma_start3A_86 = tpu.memref_slice %arg14[%dma_start3A_84, %dma_start3A_85] : memref<464x128xf32, #tpu.memory_space<hbm>> -> memref<464x128xf32, #tpu.memory_space<hbm>>
        tpu.enqueue_indirect_dma source(%dma_start3A_83 : memref<16x128xf32, #tpu.memory_space<vmem>>) target(%dma_start3A_86 : memref<464x128xf32, #tpu.memory_space<hbm>>) offsets(%add3A_80 : vector<16xi32>) semaphore(%arg18 : memref<!tpu.dma_semaphore, #tpu.memory_space<semaphore_mem>>)
        %dma_wait3A = arith.constant 0 : i32
        %dma_wait3A_87 = arith.constant 0 : i32
        %dma_wait3A_88 = tpu.memref_slice %arg17[%dma_wait3A, %dma_wait3A_87] : memref<72x128xf32, #tpu.memory_space<vmem>> -> memref<16x128xf32, #tpu.memory_space<vmem>>
        %dma_wait3A_89 = arith.constant 0 : i32
        %dma_wait3A_90 = arith.constant 0 : i32
        %dma_wait3A_91 = tpu.memref_slice %arg14[%dma_wait3A_89, %dma_wait3A_90] : memref<464x128xf32, #tpu.memory_space<hbm>> -> memref<464x128xf32, #tpu.memory_space<hbm>>
        tpu.wait_indirect_dma semaphore(%arg18 : memref<!tpu.dma_semaphore, #tpu.memory_space<semaphore_mem>>) src(%dma_wait3A_88 : memref<16x128xf32, #tpu.memory_space<vmem>>) dst(%dma_wait3A_91 : memref<464x128xf32, #tpu.memory_space<hbm>>)
        %dma_wait3A_92 = arith.constant 16 : i32
        %dma_wait3A_93 = arith.constant 0 : i32
        %dma_wait3A_94 = tpu.memref_slice %arg17[%dma_wait3A_92, %dma_wait3A_93] : memref<72x128xf32, #tpu.memory_space<vmem>> -> memref<16x128xf32, #tpu.memory_space<vmem>>
        %dma_wait3A_95 = arith.constant 0 : i32
        %dma_wait3A_96 = arith.constant 0 : i32
        %dma_wait3A_97 = tpu.memref_slice %arg14[%dma_wait3A_95, %dma_wait3A_96] : memref<464x128xf32, #tpu.memory_space<hbm>> -> memref<464x128xf32, #tpu.memory_space<hbm>>
        tpu.wait_indirect_dma semaphore(%arg18 : memref<!tpu.dma_semaphore, #tpu.memory_space<semaphore_mem>>) src(%dma_wait3A_94 : memref<16x128xf32, #tpu.memory_space<vmem>>) dst(%dma_wait3A_97 : memref<464x128xf32, #tpu.memory_space<hbm>>)
        %dma_wait3A_98 = arith.constant 32 : i32
        %dma_wait3A_99 = arith.constant 0 : i32
        %dma_wait3A_100 = tpu.memref_slice %arg17[%dma_wait3A_98, %dma_wait3A_99] : memref<72x128xf32, #tpu.memory_space<vmem>> -> memref<16x128xf32, #tpu.memory_space<vmem>>
        %dma_wait3A_101 = arith.constant 0 : i32
        %dma_wait3A_102 = arith.constant 0 : i32
        %dma_wait3A_103 = tpu.memref_slice %arg14[%dma_wait3A_101, %dma_wait3A_102] : memref<464x128xf32, #tpu.memory_space<hbm>> -> memref<464x128xf32, #tpu.memory_space<hbm>>
        tpu.wait_indirect_dma semaphore(%arg18 : memref<!tpu.dma_semaphore, #tpu.memory_space<semaphore_mem>>) src(%dma_wait3A_100 : memref<16x128xf32, #tpu.memory_space<vmem>>) dst(%dma_wait3A_103 : memref<464x128xf32, #tpu.memory_space<hbm>>)
        %dma_wait3A_104 = arith.constant 48 : i32
        %dma_wait3A_105 = arith.constant 0 : i32
        %dma_wait3A_106 = tpu.memref_slice %arg17[%dma_wait3A_104, %dma_wait3A_105] : memref<72x128xf32, #tpu.memory_space<vmem>> -> memref<16x128xf32, #tpu.memory_space<vmem>>
        %dma_wait3A_107 = arith.constant 0 : i32
        %dma_wait3A_108 = arith.constant 0 : i32
        %dma_wait3A_109 = tpu.memref_slice %arg14[%dma_wait3A_107, %dma_wait3A_108] : memref<464x128xf32, #tpu.memory_space<hbm>> -> memref<464x128xf32, #tpu.memory_space<hbm>>
        tpu.wait_indirect_dma semaphore(%arg18 : memref<!tpu.dma_semaphore, #tpu.memory_space<semaphore_mem>>) src(%dma_wait3A_106 : memref<16x128xf32, #tpu.memory_space<vmem>>) dst(%dma_wait3A_109 : memref<464x128xf32, #tpu.memory_space<hbm>>)
        %dma_wait3A_110 = arith.constant 56 : i32
        %dma_wait3A_111 = arith.constant 0 : i32
        %dma_wait3A_112 = tpu.memref_slice %arg17[%dma_wait3A_110, %dma_wait3A_111] : memref<72x128xf32, #tpu.memory_space<vmem>> -> memref<16x128xf32, #tpu.memory_space<vmem>>
        %dma_wait3A_113 = arith.constant 0 : i32
        %dma_wait3A_114 = arith.constant 0 : i32
        %dma_wait3A_115 = tpu.memref_slice %arg14[%dma_wait3A_113, %dma_wait3A_114] : memref<464x128xf32, #tpu.memory_space<hbm>> -> memref<464x128xf32, #tpu.memory_space<hbm>>
        tpu.wait_indirect_dma semaphore(%arg18 : memref<!tpu.dma_semaphore, #tpu.memory_space<semaphore_mem>>) src(%dma_wait3A_112 : memref<16x128xf32, #tpu.memory_space<vmem>>) dst(%dma_wait3A_115 : memref<464x128xf32, #tpu.memory_space<hbm>>)
      } else {
      }
    } else {
    }
    return
  }
}

module attributes {stable_mosaic.version = 14 : i64} {
  func.func @_proj_body(%arg0: i32, %arg1: memref<1x4x768xf32, #tpu.memory_space<vmem>>, %arg2: memref<1x768x896xf32, #tpu.memory_space<vmem>>, %arg3: memref<8x896xf32, #tpu.memory_space<vmem>>, %arg4: memref<1x4x896xf32, #tpu.memory_space<vmem>>) attributes {dimension_semantics = [#tpu.dimension_semantics<arbitrary>], iteration_bounds = array<i64: 8>, scalar_prefetch = 0 : i64, scratch_operands = 0 : i64, tpu.core_type = #tpu.core_type<tc>, window_params = [{transform_indices = @transform_0, window_bounds = array<i64: 1, 4, 768>}, {transform_indices = @transform_1, window_bounds = array<i64: 1, 768, 896>}, {pipeline_mode = #tpu.pipeline_mode<synchronous>, transform_indices = @transform_2, window_bounds = array<i64: 8, 896>}, {transform_indices = @transform_3, window_bounds = array<i64: 1, 4, 896>}]} {
    %get3A = arith.constant 0 : index
    %get3A_0 = arith.constant 0 : index
    %get3A_1 = arith.constant 0 : index
    %get3A_2 = vector.load %arg1[%get3A, %get3A_0, %get3A_1] : memref<1x4x768xf32, #tpu.memory_space<vmem>>, vector<1x4x768xf32>
    %get3A_3 = vector.shape_cast %get3A_2 : vector<1x4x768xf32> to vector<4x768xf32>
    %get3A_4 = arith.constant 0 : index
    %get3A_5 = arith.constant 0 : index
    %get3A_6 = arith.constant 0 : index
    %get3A_7 = vector.load %arg2[%get3A_4, %get3A_5, %get3A_6] : memref<1x768x896xf32, #tpu.memory_space<vmem>>, vector<1x768x896xf32>
    %get3A_8 = vector.shape_cast %get3A_7 : vector<1x768x896xf32> to vector<768x896xf32>
    %dot_general3A = arith.constant dense<0.000000e+00> : vector<4x896xf32>
    %dot_general3A_9 = tpu.matmul %get3A_3, %get3A_8, %dot_general3A {dimension_numbers = #tpu.dot_dimension_numbers<[1], [0], [0], [1], [0, 0, 1, 1], [], []>, transpose_lhs_hint = false} : vector<4x768xf32>, vector<768x896xf32>, vector<4x896xf32> -> vector<4x896xf32>
    %get3A_10 = arith.index_cast %arg0 : i32 to index
    %get3A_11 = arith.constant 0 : index
    %get3A_12 = vector.load %arg3[%get3A_10, %get3A_11] : memref<8x896xf32, #tpu.memory_space<vmem>>, vector<1x896xf32>
    %add3A = vector.broadcast %get3A_12 : vector<1x896xf32> to vector<4x896xf32>
    %add3A_13 = arith.addf %dot_general3A_9, %add3A : vector<4x896xf32>
    %broadcast_in_dim3A = vector.shape_cast %add3A_13 : vector<4x896xf32> to vector<1x4x896xf32>
    %swap3A = arith.constant 0 : index
    %swap3A_14 = arith.constant 0 : index
    %swap3A_15 = arith.constant 0 : index
    %swap3A_16 = vector.load %arg4[%swap3A, %swap3A_14, %swap3A_15] : memref<1x4x896xf32, #tpu.memory_space<vmem>>, vector<1x4x896xf32>
    tpu.vector_store %arg4[%swap3A, %swap3A_14, %swap3A_15], %broadcast_in_dim3A {strides = array<i32>} : memref<1x4x896xf32, #tpu.memory_space<vmem>>, vector<1x4x896xf32>,
    return
  }
  func.func @transform_0(%arg0: i32) -> (i32, i32, i32) {
    %c0_i32 = arith.constant 0 : i32
    %c0_i32_0 = arith.constant 0 : i32
    %c0_i32_1 = arith.constant 0 : i32
    return %arg0, %c0_i32, %c0_i32_0 : i32, i32, i32
  }
  func.func @transform_1(%arg0: i32) -> (i32, i32, i32) {
    %c0_i32 = arith.constant 0 : i32
    %c0_i32_0 = arith.constant 0 : i32
    %c0_i32_1 = arith.constant 0 : i32
    return %arg0, %c0_i32, %c0_i32_0 : i32, i32, i32
  }
  func.func @transform_2(%arg0: i32) -> (i32, i32) {
    %c0_i32 = arith.constant 0 : i32
    %c0_i32_0 = arith.constant 0 : i32
    %c0_i32_1 = arith.constant 0 : i32
    return %c0_i32, %c0_i32_0 : i32, i32
  }
  func.func @transform_3(%arg0: i32) -> (i32, i32, i32) {
    %c0_i32 = arith.constant 0 : i32
    %c0_i32_0 = arith.constant 0 : i32
    %c0_i32_1 = arith.constant 0 : i32
    return %arg0, %c0_i32, %c0_i32_0 : i32, i32, i32
  }
}

</mosaic_0001>

<sc_bundles>
// kernel: kernel.4.cloned.1.call-start
scs
__scs_entry_jumppad:
0x0: {  	(pc) =	sbr.rel $0x88, $3  }
0x1: {  	(tag) =	ssettag $0x0;
	lr =	simm.s32 $0x1  }
0x2: {  	[smem:$0x3F95] =	sst lr;
	_ =	strace $0xD0000000  }
0x3: {  	_ = 	snop  }
0x4: {  	_ = 	snop  }
0x5: {  	_ = 	snop  }
0x6: {  	_ = 	snop  }
0x7: {  	_ = 	snop  }
__scs_overlays_trampoline_lowered:
0x8: {  	[smem:$0x3FA4] =	sst s0  }
0x9: {  	[smem:$0x3FA5] =	sst s1  }
0xa: {  	[smem:$0x3FA6] =	sst s2  }
0xb: {  	[smem:$0x3FA7] =	sst s3  }
0xc: {  	[smem:$0x3FA8] =	sst s4  }
0xd: {  	[smem:$0x3FA9] =	sst s5  }
0xe: {  	[smem:$0x3FAA] =	sst s6  }
0xf: {  	[smem:$0x3FAB] =	sst s7  }
0x10: {  	[smem:$0x3FAC] =	sst s8  }
0x11: {  	[smem:$0x3FAD] =	sst s9;
	s0 =	simm.s32 @!p0 $0x0  }
0x12: {  	s1 =	sld [smem:$0x3F93];
	s0 =	simm.s32 @p0 $0x1  }
0x13: {  	[smem:$0x3FAE] =	sst s0;
	s0 =	simm.s32 @!p1 $0x0  }
0x14: {  	s2 =	sld [smem:$0x3F92];
	s0 =	simm.s32 @p1 $0x1  }
0x15: {  	[smem:$0x3FAF] =	sst s0;
	s0 =	simm.s32 @!p2 $0x0  }
0x16: {  	s3 =	sld [smem:$0x3FDB];
	s0 =	simm.s32 @p2 $0x1  }
0x17: {  	s4 =	simm.s32 $0x1BF5;
	[smem:$0x3FB1] =	sst s0  }
0x18: {  	s0 =	sld [smem:$0x3F94];
	_ =	swait.ge [sflag:s4], $0x0  }
0x19: {  	s7 =	sld [smem:$0x3F95]  }
0x1a: {  	s8 =	sadd.s32 $0xFFFFE003, lr  }
0x1b: {  	s9 =	sadd.s32 $0xFFFFFEF7, lr;
	s5 =	simm.s32 $0xFFFFFFFF;
	p2 =	slt.u32 s8, $0xFFFFF086  }
0x1c: {  	p1 =	slt.u32 s9, $0xF7A;
	s5 =	simm.s32 @!p2 $0x0  }
0x1d: {  	s5 =	simm.s32 @p1 $0x1;
	p0 =	seq.s32 s7, s2  }
0x1e: {  	s7 =	smul.u32 @!p0 $0xF7A, s2;
	p2 =	seq.s32 @!p0 s5, $0x0  }
0x1f: {  	s9 =	smul.u32 $0xF7A, s1;
	s8 =	simm.s32 @!p0 $0x1BF5;
	p2 =	por !p2, p0  }
0x20: {  	[sflag:s8] =	ssyncset.s32 @!p0 $0xFFFFF086;
	s6 =	sadd.s32 @!p0 s3, s7;
	s7 =	simm.s32 @!p0 $0x108  }
0x21: {  	s3 =	sadd.s32 s3, s9;
	s6 =	sadd.s32 @!p0 $0x88, s6;
	s7 =	simm.s32 @p2 $0x1082  }
0x22: {  	[simem:s7], [sflag:s8] =	dma.local @!p0 [hbm:s6], $0xF7A  }
0x23: {  	s9 =	sor.u32 $0xD0000000, s2;
	s6 =	simm.s32 $0x108;
	_ =	swait.ge @!p0 [sflag:s8], $0x0  }
0x24: {  	s3 =	sadd.s32 $0x88, s3;
	s6 =	simm.s32 @!p1 $0x1082;
	[sflag:s4] =	ssyncset.s32 $0xFFFFF086  }
0x25: {  	[simem:s6], [sflag:s4] =	dma.local [hbm:s3], $0xF7A  }
0x26: {  	[smem:$0x3F95] =	sst s1;
	(tag) =	ssettag s2;
	_ =	strace s9  }
0x27: {  	s1 =	sld [smem:$0x3FA5]  }
0x28: {  	s2 =	sld [smem:$0x3FA6]  }
0x29: {  	s4 =	sld [smem:$0x3FA8]  }
0x2a: {  	p0 =	seq.s32 s5, $0x0;
	s5 =	sld [smem:$0x3FA9]  }
0x2b: {  	s6 =	sld [smem:$0x3FAA]  }
0x2c: {  	s7 =	sld [smem:$0x3FAB]  }
0x2d: {  	s3 =	simm.s32 $0x108;
	s8 =	sld [smem:$0x3FAC]  }
0x2e: {  	s3 =	simm.s32 @!p0 $0x1082;
	s9 =	sld [smem:$0x3FAD]  }
0x2f: {  	lr =	sadd.s32 s0, s3;
	s0 =	sld [smem:$0x3FA4]  }
0x30: {  	s3 =	sld [smem:$0x3FA7]  }
0x31: {  	[smem:$0x3FB0] =	sst s10  }
0x32: {  	s10 =	sld [smem:$0x3FAE];
	_ =	sdelay $0x3  }
0x33: {  	p0 =	seq.s32 s10, $0x1;
	s10 =	sld [smem:$0x3FB0];
	_ =	sdelay $0x3  }
0x34: {  	[smem:$0x3FB0] =	sst s10  }
0x35: {  	s10 =	sld [smem:$0x3FAF];
	_ =	sdelay $0x3  }
0x36: {  	p1 =	seq.s32 s10, $0x1;
	s10 =	sld [smem:$0x3FB0];
	_ =	sdelay $0x3  }
0x37: {  	[smem:$0x3FB0] =	sst s10  }
0x38: {  	s10 =	sld [smem:$0x3FB1]  }
0x39: {  	_ = 	snop;
	(pc) =	sbr.ind lr, $3  }
0x3a: {  	_ = 	snop  }
0x3b: {  	_ = 	snop  }
0x3c: {  	p2 =	seq.s32 s10, $0x1;
	s10 =	sld [smem:$0x3FB0]  }
0x3d: {  	_ =	shalt  }
0x3e: {  	_ =	shalt  }
0x3f: {  	_ =	shalt  }
0x40: {  	_ =	shalt  }
0x41: {  	_ =	shalt  }
0x42: {  	_ =	shalt  }
0x43: {  	_ =	shalt  }
0x44: {  	_ =	shalt  }
0x45: {  	_ =	shalt  }
0x46: {  	_ =	shalt  }
0x47: {  	_ =	shalt  }
0x48: {  	_ =	shalt  }
0x49: {  	_ =	shalt  }
0x4a: {  	_ =	shalt  }
0x4b: {  	_ =	shalt  }
0x4c: {  	_ =	shalt  }
0x4d: {  	_ =	shalt  }
0x4e: {  	_ =	shalt  }
0x4f: {  	_ =	shalt  }
0x50: {  	_ =	shalt  }
0x51: {  	_ =	shalt  }
0x52: {  	_ =	shalt  }
0x53: {  	_ =	shalt  }
0x54: {  	_ =	shalt  }
0x55: {  	_ =	shalt  }
0x56: {  	_ =	shalt  }
0x57: {  	_ =	shalt  }
0x58: {  	_ =	shalt  }
0x59: {  	_ =	shalt  }
0x5a: {  	_ =	shalt  }
0x5b: {  	_ =	shalt  }
0x5c: {  	_ =	shalt  }
0x5d: {  	_ =	shalt  }
0x5e: {  	_ =	shalt  }
0x5f: {  	_ =	shalt  }
0x60: {  	_ =	shalt  }
0x61: {  	_ =	shalt  }
0x62: {  	_ =	shalt  }
0x63: {  	_ =	shalt  }
0x64: {  	_ =	shalt  }
0x65: {  	_ =	shalt  }
0x66: {  	_ =	shalt  }
0x67: {  	_ =	shalt  }
0x68: {  	_ =	shalt  }
0x69: {  	_ =	shalt  }
0x6a: {  	_ =	shalt  }
0x6b: {  	_ =	shalt  }
0x6c: {  	_ =	shalt  }
0x6d: {  	_ =	shalt  }
0x6e: {  	_ =	shalt  }
0x6f: {  	_ =	shalt  }
0x70: {  	_ =	shalt  }
0x71: {  	_ =	shalt  }
0x72: {  	_ =	shalt  }
0x73: {  	_ =	shalt  }
0x74: {  	_ =	shalt  }
0x75: {  	_ =	shalt  }
0x76: {  	_ =	shalt  }
0x77: {  	_ =	shalt  }
0x78: {  	_ =	shalt  }
0x79: {  	_ =	shalt  }
0x7a: {  	_ =	shalt  }
0x7b: {  	_ =	shalt  }
0x7c: {  	_ =	shalt  }
0x7d: {  	_ =	shalt  }
0x7e: {  	_ =	shalt  }
0x7f: {  	_ =	shalt  }
0x80: {  	_ =	shalt  }
0x81: {  	_ =	shalt  }
0x82: {  	_ =	shalt  }
0x83: {  	_ =	shalt  }
0x84: {  	_ =	shalt  }
0x85: {  	_ =	shalt  }
0x86: {  	_ =	shalt  }
0x87: {  	_ =	shalt  }
.Lfunc_end0:
.L_simem_size_0:
called_computation_lowered:
.L_overlay_start_0:
0x88: {  	s2 =	sld [smem:$0x3FD9]  }
0x89: {  	s3 =	sld [smem:$0x3FFE];
	_ =	sdelay $0x1  }
0x8a: {  	s1 =	srdreg.scid  }
0x8b: {  	s0 =	sand.u32 $0x1, s1  }
0x8c: {  	s17 =	sshll.u32 s0, $0xA;
	s2 =	sadd.s32 s3, s2  }
0x8d: {  	s2 =	sadd.s32 s2, s17  }
0x8e: {  	[smem:$0x3FBC] =	sst s2  }
0x8f: {  	_ = 	snop  }
0x90: {  	s2 =	sld [smem:$0x3FC9]  }
0x91: {  	s18 =	sld [smem:$0x3FC8]  }
0x92: {  	s4 =	sld [smem:$0x3FC7]  }
0x93: {  	s5 =	sld [smem:$0x3FC6]  }
0x94: {  	s6 =	sld [smem:$0x3FC5]  }
0x95: {  	s7 =	sld [smem:$0x3FC1]  }
0x96: {  	s8 =	sld [smem:$0x3FC0]  }
0x97: {  	s9 =	sld [smem:$0x3FBF]  }
0x98: {  	s10 =	sld [smem:$0x3FBE];
	(tm) =	ssettm $0x1  }
0x99: {  	s11 =	sld [smem:$0x3FFB];
	_ =	sdelay $0x3  }
0x9a: {  	_ =	strace s11  }
0x9b: {  	s11 =	sld [smem:$0x3FFC];
	_ =	sdelay $0x3  }
0x9c: {  	_ =	strace s11  }
0x9d: {  	s11 =	sld [smem:$0x3FFD];
	_ =	sdelay $0x3  }
0x9e: {  	_ =	strace s11  }
0x9f: {  	_ =	strace $0x8FFFFFFF  }
0xa0: {  	s19 =	sld [smem:$0x3FDB];
	_ =	sdelay $0x1  }
0xa1: {  	s12 =	simm.s32 $_scs_section_size  }
0xa2: {  	s13 =	simm.s32 $_size__tile_overlayer_lowered;
	s14 =	simm.s32 $_tile_overlayer_lowered  }
0xa3: {  	s22 =	simm.s32 $0x1BFF;
	s21 =	sshll.u32 s14, $0x1;
	s11 =	sadd.s32 s12, s19  }
0xa4: {  	s15 =	simm.s32 $0x0;
	s20 =	sshll.u32 s13, $0x1;
	s13 =	sadd.s32 s21, s11  }
0xa5: {  	[timem:s15], [sflag:s22] =	dma.local [hbm:s13], s20  }
0xa6: {  	_ =	swait.ge [sflag:s22], s20  }
0xa7: {  	s12 =	ssub.s32 $0x0, s20;
	[sflag:s22] =	ssyncset.done $0x0  }
0xa8: {  	[sflag:s22] =	ssyncadd.s32 s12;
	_ =	sdelay $0x1  }
0xa9: {  	s23 =	simm.s32 $0x1B8B  }
0xaa: {  	_ =	swait.ge [sflag:s23], $0x1  }
0xab: {  	[sflag:s23] =	ssyncset.done $0x0  }
0xac: {  	s25 =	simm.s32 $0x1B8E;
	s24 =	sld [smem:$0x3FFE];
	[sflag:s23] =	ssyncadd.s32 $0xFFFFFFFF  }
0xad: {  	s26 =	simm.s32 $execute0_lowered;
	[smem:$0x3FD2] =	sst s25  }
0xae: {  	s13 =	sshll.u32 s26, $0x1;
	_ =	strace $0x80000046;
	[dreg:$0x1] =	wrdreg $0xFFFFFFFF  }
0xaf: {  	s28 =	simm.s32 $_size_execute0_lowered;
	s11 =	sadd.s32 s11, s13;
	[dreg:$0x0] =	wrdreg $0x0  }
0xb0: {  	s13 =	sshll.u32 s28, $0x1;
	[dreg:$0x2] =	wrdreg s11  }
0xb1: {  	[dreg:$0x3] =	wrdreg s13  }
0xb2: {  	[dreg:$0x4] =	wrdreg $0xC0  }
0xb3: {  	_ =	task [dreg:s15], $0x5FFFF  }
0xb4: {  	[dreg:$0x1] =	wrdreg $0xFFFFFFFF  }
0xb5: {  	[dreg:$0x0] =	wrdreg $0x60  }
0xb6: {  	[dreg:$0x2] =	wrdreg s2  }
0xb7: {  	[dreg:$0x3] =	wrdreg s18  }
0xb8: {  	[dreg:$0x4] =	wrdreg s4  }
0xb9: {  	[dreg:$0x5] =	wrdreg s5  }
0xba: {  	[dreg:$0x6] =	wrdreg s6  }
0xbb: {  	[dreg:$0x7] =	wrdreg s7  }
0xbc: {  	[dreg:$0x8] =	wrdreg s8  }
0xbd: {  	[dreg:$0x9] =	wrdreg s9  }
0xbe: {  	[dreg:$0xa] =	wrdreg s10  }
0xbf: {  	[dreg:$0xb] =	wrdreg s24  }
0xc0: {  	[dreg:$0xc] =	wrdreg $0x9  }
0xc1: {  	_ =	task.clear_ibuf [dreg:s15], $0xDFFFF;
	_ =	strace $0x90000046  }
0xc2: {  	s29 =	simm.s32 $0x9;
	_ =	strace $0x80000048  }
0xc3: {  	_ =	swait.ge [sflag:s29], $0x1  }
0xc4: {  	[sflag:s29] =	ssyncadd.s32 $0xFFFFFFFF  }
0xc5: {  	_ =	strace $0x90000048  }
0xc6: {  	_ =	sfence  }
0xc7: {  	s30 =	sld [smem:$0x0];
	_ =	sdelay $0x2  }
0xc8: {  	s31 =	sshll.u32 s1, $0xD;
	s1 =	sshrl.u32 s1, $0x2  }
0xc9: {  	s3 =	sand.u32 $0x4000, s31;
	s1 =	sadd.s32 s1, s30  }
0xca: {  	s0 =	sor.u32 s3, s0;
	s1 =	sshll.u32 s1, $0x11  }
0xcb: {  	s0 =	sor.u32 s1, s0  }
0xcc: {  	s0 =	sadd.s32 $0x8F2B, s0  }
0xcd: {  	[sflag:s0] =	ssyncadd.remote.s32 $0x1  }
0xce: {  	_ =	sfence.sel $0xFFFF  }
0xcf: {  	[dreg:$0x0] =	wrdreg $0xFFFFFFFF;
	(pc) =	sbr.abs _section_cstart, $3  }
0xd0: {  	[dreg:$0x1] =	wrdreg $0xFFFFFFFF  }
0xd1: {  	_ =	task.clear_ibuf [dreg:s15], $0x2FFFF;
	_ =	strace $0x9FFFFFFF  }
0xd2: {  	(tm) =	ssettm $0x7FFFFFFF  }
0xd3: {  	_ =	shalt  }
tec
execute0_lowered:
.L_overlay_start_1:
0x0: {  	(tag) =	ssettag $0x1  }
0x1: {  	s0 =	srdreg.scid;
	s10 =	stileid.u32;
	v0 =	vlaneseq.u32  }
0x2: {  	vm1 =	vmmov $0xff;
	s8 =	sand.u32 $0x1, s0;
	s6 =	sshll.u32 s10, $0x1;
	v17 =	vadd.s32 $0x6, v0  }
0x3: {  	v18 =	vadd.s32 $0x16, v0;
	v19 =	vand.u32 $0x7, v0;
	v20 =	vshrl.u32 v0, $0x3;
	s3 =	sor.u32 s8, s6  }
0x4: {  	v21 =	vor.u32 $0x8, v0;
	v22 =	vadd.s32 $0x26, v0;
	v23 =	vadd.s32 $0x36, v0;
	s0 =	sshll.u32 s3, $0x4  }
0x5: {  	v51 =	vadd.s32 $0x6E, v0;
	s7 =	sadd.s32 $0xFFFFFFEE, s3;
	s4 =	sadd.s32 $0xFFFFFFF4, s3;
	v1 =	vor.u32 s0, v0;
	v2 =	vmov s0  }
0x6: {  	v20 =	vmul.u32 $0x8, v20;
	s5 =	sadd.s32 $0xFFFFFFFA, s3;
	s1 =	sshll.u32 s7, $0x4;
	s25 =	sshll.u32 s4, $0x4;
	v1 =	vmin.u32 v1, $0x40;
	vm0 =	veq.s32 v2, v0  }
0x7: {  	s2 =	sshll.u32 s5, $0x4;
	v2 =	vor.u32 s1, v0;
	v3 =	vmov s1;
	v6 =	vor.u32 s25, v0  }
0x8: {  	v7 =	vmov s25;
	v8 =	vor.u32 s2, v0;
	v1 =	vadd.s32 $0xC, v1  }
0x9: {  	v2 =	vmin.u32 v2, $0x34;
	v6 =	vmin.u32 v6, $0x40;
	v8 =	vmin.u32 v8, $0x34  }
0xa: {  	v1 =	vsel vm0, $0x0, v1;
	v2 =	vadd.s32 $0x18, v2;
	vm0 =	veq.s32 v3, v0  }
0xb: {  	v6 =	vadd.s32 $0xC, v6;
	v9 =	vadd.s32 $0x18, v8;
	v24 =	vmul.u32 $0x6, v1  }
0xc: {  	v2 =	vsel vm0, $0x0, v2;
	vm0 =	veq.s32 v7, v0;
	v7 =	vmov s2  }
0xd: {  	v3 =	vmul.u32 $0x6, v2;
	v6 =	vsel vm0, $0x0, v6;
	vm0 =	veq.s32 v7, v0  }
0xe: {  	v27 =	vor.u32 $0x1, v24;
	v28 =	vadd.s32 $0x2, v24;
	v29 =	vadd.s32 $0x3, v24  }
0xf: {  	v33 =	vadd.s32 $0x4, v24;
	v34 =	vadd.s32 $0x5, v24;
	v8 =	vmul.u32 $0x6, v6  }
0x10: {  	v9 =	vsel vm0, $0x0, v9;
	vm0 =	vmmov $0xffff;
	v25 =	vperm.xlane v24, v19  }
0x11: {  	s9 =	rddreg [dreg:$0x9];
	s18 =	simm.s32 $0x0;
	s19 =	simm.s32 $0x3080;
	v26 =	vperm.xlane v24, v21;
	v24 =	vadd.s32 $0x3E, v0;
	v4 =	vor.u32 $0x1, v3  }
0x12: {  	s20 =	simm.s32 $0x2;
	s21 =	simm.s32 $0x3880;
	s22 =	simm.s32 $0x4080;
	v5 =	vadd.s32 $0x2, v3;
	v7 =	vadd.s32 $0x3, v3;
	v30 =	vperm.xlane v27, v19  }
0x13: {  	s23 =	simm.s32 $0x4880;
	s24 =	simm.s32 $0x4C80;
	s28 =	simm.s32 $0x1080;
	v10 =	vadd.s32 $0x4, v3;
	v31 =	vperm.xlane v27, v21;
	v32 =	vperm.xlane v28, v21  }
0x14: {  	s29 =	simm.s32 $0x1880;
	s30 =	simm.s32 $0x2080;
	s31 =	simm.s32 $0x2880;
	v11 =	vadd.s32 $0x5, v3;
	v36 =	vperm.xlane v29, v21;
	v37 =	vperm.xlane v33, v19  }
0x15: {  	s11 =	sadd.s32 $0xE00, s9;
	s12 =	sadd.s32 $0x2C00, s9;
	s13 =	sadd.s32 $0x4A00, s9;
	v35 =	vmul.u32 $0x6, v9;
	v57 =	vperm.xlane v33, v21;
	v58 =	vperm.xlane v34, v19  }
0x16: {  	s14 =	sadd.s32 $0x6800, s9;
	p5 =	sgt.u32 s10, $0x2;
	s8 =	ssub.s32 $0x2, s8;
	v38 =	vperm.xlane v34, v21;
	v12 =	vor.u32 $0x1, v8;
	v13 =	vadd.s32 $0x2, v8  }
0x17: {  	p6 =	sgt.u32 s10, $0x4;
	s9 =	simm.s32 $0x1C80;
	s26 =	sshrl.u32 s8, $0x1;
	v14 =	vadd.s32 $0x3, v8;
	v15 =	vadd.s32 $0x4, v8;
	v16 =	vadd.s32 $0x5, v8  }
0x18: {  	s6 =	rddreg [dreg:$0x5];
	p0 =	seq.s32 s3, $0x5;
	s8 =	ssub.s32 s8, s26;
	v25 =	vadd.s32 v20, v25;
	v26 =	vadd.s32 v20, v26;
	v39 =	vor.u32 $0x1, v35  }
0x19: {  	p1 =	sgt.u32 s5, $0x5;
	p2 =	seq.s32 s5, $0x5;
	p3 =	sne.s32 s5, $0x4;
	v40 =	vadd.s32 $0x2, v35;
	v41 =	vadd.s32 $0x3, v35;
	v27 =	vadd.s32 v20, v30  }
0x1a: {  	p4 =	sgt.u32 s4, $0x5;
	s26 =	simm.s32 $0x880;
	s5 =	simm.s32 @!p3 $0x0;
	v30 =	vperm.xlane v28, v19;
	v28 =	vadd.s32 v20, v31;
	v31 =	vperm.xlane v29, v19  }
0x1b: {  	s4 =	simm.s32 $0x1480;
	s5 =	simm.s32 @p3 $0x1;
	p3 =	sgt.u32 s3, $0x10;
	v42 =	vadd.s32 $0x4, v35;
	v44 =	vperm.xlane v35, v19;
	v45 =	vperm.xlane v35, v21  }
0x1c: {  	s1 =	rddreg [dreg:$0x0];
	s17 =	smax.u32 s8, $0x1;
	s3 =	simm.s32 @!p3 $0x0;
	v43 =	vadd.s32 $0x5, v35;
	v46 =	vperm.xlane v39, v19;
	v59 =	vperm.xlane v39, v21  }
0x1d: {  	s2 =	rddreg [dreg:$0x1];
	s3 =	simm.s32 @p3 $0x1;
	p3 =	sgt.u32 s7, $0x5;
	v33 =	vadd.s32 v20, v37;
	v60 =	vperm.xlane v40, v19;
	v61 =	vperm.xlane v40, v21  }
0x1e: {  	_ =	strace $0x80000047;
	[smem:$0x7F9] =	sst s3;
	s3 =	simm.s32 @!p3 $0x0;
	v34 =	vadd.s32 v20, v57;
	v62 =	vperm.xlane v41, v19;
	v47 =	vperm.xlane v41, v21  }
0x1f: {  	s25 =	simm.s32 $0x80;
	s3 =	simm.s32 @p3 $0x1;
	p3 =	seq.s32 s7, $0x5;
	v35 =	vadd.s32 v20, v58;
	v63 =	vperm.xlane v42, v19;
	v48 =	vperm.xlane v42, v21  }
0x20: {  	s8 =	simm.s32 $0xC80;
	[smem:$0x7FA] =	sst s3;
	s3 =	simm.s32 @!p3 $0x0;
	v49 =	vperm.xlane v43, v19;
	v50 =	vperm.xlane v43, v21;
	v29 =	vadd.s32 v20, v30  }
0x21: {  	s15 =	sadd.s32 $0x100, s1;
	s3 =	simm.s32 @p3 $0x1;
	p3 =	sne.s32 s7, $0x4;
	v30 =	vadd.s32 v20, v32;
	v31 =	vadd.s32 v20, v31;
	v32 =	vadd.s32 v20, v36  }
.Ltmp0:
0x22: {  	s16 =	sadd.s32 $0x200, s1;
	s0 =	simm.s32 @!p3 $0x0;
	v36 =	vadd.s32 v20, v38;
	v37 =	vadd.s32 v20, v44;
	v38 =	vadd.s32 v20, v45;
	(pc) =	sbr.rel .LBB2_1-.Ltmp0, $4  }
0x23: {  	[smem:$0x7F8] =	sst s5;
	s0 =	simm.s32 @p3 $0x1;
	p3 =	sgt.u32 s10, $0xA;
	v39 =	vadd.s32 v20, v46;
	v40 =	vadd.s32 v20, v59;
	v41 =	vadd.s32 v20, v60  }
0x24: {  	s5 =	simm.s32 $0x1;
	[smem:$0x7FC] =	sst s0;
	s0 =	simm.s32 @!p3 $0x0;
	v42 =	vadd.s32 v20, v61;
	v43 =	vadd.s32 v20, v62;
	v44 =	vadd.s32 v20, v47  }
0x25: {  	[smem:$0x7FB] =	sst s3;
	s3 =	simm.s32 $0x2480;
	s0 =	simm.s32 @p3 $0x1;
	v45 =	vadd.s32 v20, v63;
	v46 =	vadd.s32 v20, v48;
	v47 =	vadd.s32 v20, v49  }
0x26: {  	s10 =	simm.s32 $0x480;
	v48 =	vadd.s32 v20, v50;
	v49 =	vadd.s32 $0x4E, v0;
	v50 =	vadd.s32 $0x5E, v0;
	[smem:$0x7FD] =	sst s0;
	s0 =	simm.s32 $0x2C80  }
.LBB2_25:
0x27: {  	[tilespmem:s19], [sflag:$0x2] =	stream.linear.gather [hbm4b:s2+s18], $0x2400, $0x38;
	[tilespmem:$0x5480] =	vst v63  }
0x28: {  	_ =	swait.ge [sflag:s20], $0x2400  }
0x29: {  	[sflag:s20] =	ssyncset.done $0x0  }
0x2a: {  	[sflag:s20] =	ssyncadd.s32 $0xFFFFDC00  }
0x2b: {  	[hbm4b:s11+s18] =	stream.indirect_vreg.scatter [tilespmem:s19], [sflag:$0x1], $0x80, v17, vm0, $0xb8;
	[tilespmem:$0x5480] =	vst v63  }
0x2c: {  	_ = 	snop  }
0x2d: {  	[hbm4b:s11+s18] =	stream.indirect_vreg.scatter [tilespmem:s21], [sflag:$0x1], $0x80, v18, vm0, $0xb8;
	[tilespmem:$0x5480] =	vst v63  }
0x2e: {  	_ = 	snop  }
0x2f: {  	[hbm4b:s11+s18] =	stream.indirect_vreg.scatter [tilespmem:s22], [sflag:$0x1], $0x80, v22, vm0, $0xb8;
	[tilespmem:$0x5480] =	vst v63  }
0x30: {  	_ = 	snop  }
0x31: {  	[hbm4b:s11+s18] =	stream.indirect_vreg.scatter [tilespmem:s23], [sflag:$0x1], $0x80, v23, vm0, $0xb8;
	[tilespmem:$0x5480] =	vst v63  }
0x32: {  	_ = 	snop  }
0x33: {  	[hbm4b:s11+s18] =	stream.indirect_vreg.scatter [tilespmem:s24], [sflag:$0x1], $0x80, v24, vm0, $0xb8;
	[tilespmem:$0x5480] =	vst v63  }
.LBB2_22:
0x34: {  	_ =	swait.ge [sflag:s5], $0x800  }
0x35: {  	[sflag:s5] =	ssyncset.done $0x0  }
0x36: {  	[sflag:s5] =	ssyncadd.s32 $0xFFFFF800  }
0x37: {  	_ =	swait.ge [sflag:s5], $0x800  }
0x38: {  	[sflag:s5] =	ssyncset.done $0x0  }
0x39: {  	[sflag:s5] =	ssyncadd.s32 $0xFFFFF800  }
0x3a: {  	_ =	swait.ge [sflag:s5], $0x800  }
0x3b: {  	[sflag:s5] =	ssyncset.done $0x0  }
0x3c: {  	[sflag:s5] =	ssyncadd.s32 $0xFFFFF800  }
0x3d: {  	_ =	swait.ge [sflag:s5], $0x800  }
0x3e: {  	[sflag:s5] =	ssyncset.done $0x0  }
0x3f: {  	[sflag:s5] =	ssyncadd.s32 $0xFFFFF800  }
0x40: {  	_ =	swait.ge [sflag:s5], $0x800  }
0x41: {  	[sflag:s5] =	ssyncset.done $0x0  }
0x42: {  	[sflag:s5] =	ssyncadd.s32 $0xFFFFF800  }
.LBB2_23:
0x43: {  	s17 =	sadd.s32 $0xFFFFFFFF, s17  }
0x44: {  	p3 =	sne.s32 s17, $0x0  }
.Ltmp1:
0x45: {  	_ = 	snop;
	(pc) =	sbr.rel @!p3 .LBB2_24-.Ltmp1, $1  }
0x46: {  	_ =	sdelay $0x3  }
.LBB2_1:
.Ltmp2:
0x47: {  	(pc) =	sbr.rel @p5 .LBB2_4-.Ltmp2, $1  }
0x48: {  	_ =	sdelay $0x3  }
.Ltmp3:
0x49: {  	(pc) =	sbr.rel @p0 .LBB2_25-.Ltmp3, $1  }
0x4a: {  	_ =	sdelay $0x3  }
0x4b: {  	[tilespmem:s18], [sflag:$0x2] =	stream.linear.gather [hbm4b:s6+s18], $0x80, $0x38;
	[tilespmem:$0x5480] =	vst v63  }
0x4c: {  	_ =	swait.ge [sflag:s20], $0x80  }
0x4d: {  	[sflag:s20] =	ssyncset.done $0x0  }
0x4e: {  	[sflag:s20] =	ssyncadd.s32 $0xFFFFFF80  }
0x4f: {  	v52 =	vld.idx.msk [tilespmem:v1+s18+$0x0], $0xffff;
	_ =	sdelay $0x4  }
0x50: {  	v53 =	vshrl.u32 v52, $0x3  }
0x51: {  	v53 =	vmul.u32 $0x30, v53  }
0x52: {  	v52 =	vand.u32 $0x7, v52  }
0x53: {  	v52 =	vor.u32 v52, v53  }
0x54: {  	v53 =	vperm.xlane v52, v19;
	_ =	sdelay $0x1  }
0x55: {  	v53 =	vadd.s32 v20, v53;
	_ =	sdelay $0x3  }
0x56: {  	v52 =	vperm.xlane v52, v21  }
0x57: {  	[tilespmem:s25], [sflag:$0x1] =	stream.indirect_vreg.gather [hbm4b:s1+s18], $0x80, v53, vm0, $0xb8;
	[tilespmem:$0x5480] =	vst v63  }
0x58: {  	v52 =	vadd.s32 v20, v52  }
0x59: {  	[tilespmem:s26], [sflag:$0x1] =	stream.indirect_vreg.gather [hbm4b:s15+s18], $0x80, v53, vm0, $0xb8;
	[tilespmem:$0x5480] =	vst v63  }
0x5a: {  	_ = 	snop  }
0x5b: {  	[tilespmem:s28], [sflag:$0x1] =	stream.indirect_vreg.gather [hbm4b:s16+s18], $0x80, v53, vm0, $0xb8;
	[tilespmem:$0x5480] =	vst v63  }
0x5c: {  	_ = 	snop  }
0x5d: {  	[tilespmem:s29], [sflag:$0x1] =	stream.indirect_vreg.gather [hbm4b:s1+s18], $0x80, v52, vm0, $0xb8;
	[tilespmem:$0x5480] =	vst v63  }
0x5e: {  	_ = 	snop  }
0x5f: {  	[tilespmem:s30], [sflag:$0x1] =	stream.indirect_vreg.gather [hbm4b:s15+s18], $0x80, v52, vm0, $0xb8;
	[tilespmem:$0x5480] =	vst v63  }
0x60: {  	_ = 	snop  }
0x61: {  	[tilespmem:s31], [sflag:$0x1] =	stream.indirect_vreg.gather [hbm4b:s16+s18], $0x80, v52, vm0, $0xb8;
	[tilespmem:$0x5480] =	vst v63  }
0x62: {  	_ =	swait.ge [sflag:s5], $0x3000  }
0x63: {  	[sflag:s5] =	ssyncset.done $0x0  }
0x64: {  	[sflag:s5] =	ssyncadd.s32 $0xFFFFD000  }
0x65: {  	[hbm4b:s11+s18] =	stream.indirect_vreg.scatter [tilespmem:s25], [sflag:$0x1], $0x80, v25, vm1, $0xb8;
	[tilespmem:$0x5480] =	vst v63  }
0x66: {  	_ = 	snop  }
0x67: {  	[hbm4b:s11+s18] =	stream.indirect_vreg.scatter [tilespmem:s29], [sflag:$0x1], $0x80, v26, vm1, $0xb8;
	[tilespmem:$0x5480] =	vst v63  }
0x68: {  	_ = 	snop  }
0x69: {  	[hbm4b:s11+s18] =	stream.indirect_vreg.scatter [tilespmem:s10], [sflag:$0x1], $0x80, v27, vm1, $0xb8;
	[tilespmem:$0x5480] =	vst v63  }
0x6a: {  	_ = 	snop  }
0x6b: {  	[hbm4b:s11+s18] =	stream.indirect_vreg.scatter [tilespmem:s9], [sflag:$0x1], $0x80, v28, vm1, $0xb8;
	[tilespmem:$0x5480] =	vst v63  }
0x6c: {  	_ = 	snop  }
0x6d: {  	[hbm4b:s11+s18] =	stream.indirect_vreg.scatter [tilespmem:s26], [sflag:$0x1], $0x80, v29, vm1, $0xb8;
	[tilespmem:$0x5480] =	vst v63  }
0x6e: {  	_ = 	snop  }
0x6f: {  	[hbm4b:s11+s18] =	stream.indirect_vreg.scatter [tilespmem:s30], [sflag:$0x1], $0x80, v30, vm1, $0xb8;
	[tilespmem:$0x5480] =	vst v63  }
0x70: {  	_ = 	snop  }
0x71: {  	[hbm4b:s11+s18] =	stream.indirect_vreg.scatter [tilespmem:s8], [sflag:$0x1], $0x80, v31, vm1, $0xb8;
	[tilespmem:$0x5480] =	vst v63  }
0x72: {  	_ = 	snop  }
0x73: {  	[hbm4b:s11+s18] =	stream.indirect_vreg.scatter [tilespmem:s3], [sflag:$0x1], $0x80, v32, vm1, $0xb8;
	[tilespmem:$0x5480] =	vst v63  }
0x74: {  	_ = 	snop  }
0x75: {  	[hbm4b:s11+s18] =	stream.indirect_vreg.scatter [tilespmem:s28], [sflag:$0x1], $0x80, v33, vm1, $0xb8;
	[tilespmem:$0x5480] =	vst v63  }
0x76: {  	_ = 	snop  }
0x77: {  	[hbm4b:s11+s18] =	stream.indirect_vreg.scatter [tilespmem:s31], [sflag:$0x1], $0x80, v34, vm1, $0xb8;
	[tilespmem:$0x5480] =	vst v63  }
0x78: {  	_ = 	snop  }
0x79: {  	[hbm4b:s11+s18] =	stream.indirect_vreg.scatter [tilespmem:s4], [sflag:$0x1], $0x80, v35, vm1, $0xb8;
	[tilespmem:$0x5480] =	vst v63  }
0x7a: {  	_ = 	snop  }
0x7b: {  	[hbm4b:s11+s18] =	stream.indirect_vreg.scatter [tilespmem:s0], [sflag:$0x1], $0x80, v36, vm1, $0xb8;
	[tilespmem:$0x5480] =	vst v63  }
0x7c: {  	_ =	swait.ge [sflag:s5], $0x800  }
0x7d: {  	[sflag:s5] =	ssyncset.done $0x0  }
0x7e: {  	[sflag:s5] =	ssyncadd.s32 $0xFFFFF800  }
0x7f: {  	_ =	swait.ge [sflag:s5], $0x800  }
0x80: {  	[sflag:s5] =	ssyncset.done $0x0  }
0x81: {  	[sflag:s5] =	ssyncadd.s32 $0xFFFFF800  }
0x82: {  	_ =	swait.ge [sflag:s5], $0x800  }
0x83: {  	[sflag:s5] =	ssyncset.done $0x0  }
0x84: {  	[sflag:s5] =	ssyncadd.s32 $0xFFFFF800  }
0x85: {  	_ =	swait.ge [sflag:s5], $0x800  }
0x86: {  	[sflag:s5] =	ssyncset.done $0x0  }
0x87: {  	[sflag:s5] =	ssyncadd.s32 $0xFFFFF800  }
0x88: {  	_ =	swait.ge [sflag:s5], $0x800  }
0x89: {  	[sflag:s5] =	ssyncset.done $0x0  }
0x8a: {  	[sflag:s5] =	ssyncadd.s32 $0xFFFFF800  }
0x8b: {  	_ =	swait.ge [sflag:s5], $0x800  }
0x8c: {  	[sflag:s5] =	ssyncset.done $0x0  }
0x8d: {  	[sflag:s5] =	ssyncadd.s32 $0xFFFFF800  }
.LBB2_4:
.Ltmp4:
0x8e: {  	(pc) =	sbr.rel @p1 .LBB2_11-.Ltmp4, $1  }
0x8f: {  	_ =	sdelay $0x3  }
.Ltmp5:
0x90: {  	(pc) =	sbr.rel @p6 .LBB2_7-.Ltmp5, $1  }
0x91: {  	_ =	sdelay $0x3  }
0x92: {  	s7 =	rddreg [dreg:$0x6]  }
0x93: {  	[tilespmem:s18], [sflag:$0x2] =	stream.linear.gather [hbm4b:s7+s18], $0x80, $0x38;
	[tilespmem:$0x5480] =	vst v63  }
0x94: {  	_ =	swait.ge [sflag:s20], $0x80  }
0x95: {  	[sflag:s20] =	ssyncset.done $0x0  }
0x96: {  	[sflag:s20] =	ssyncadd.s32 $0xFFFFFF80  }
0x97: {  	v52 =	vld.idx.msk [tilespmem:v9+s18+$0x0], $0xffff;
	_ =	sdelay $0x4  }
0x98: {  	v53 =	vshrl.u32 v52, $0x3  }
0x99: {  	v53 =	vmul.u32 $0x30, v53  }
0x9a: {  	v52 =	vand.u32 $0x7, v52  }
0x9b: {  	v52 =	vor.u32 v52, v53  }
0x9c: {  	v53 =	vperm.xlane v52, v19;
	_ =	sdelay $0x1  }
0x9d: {  	v53 =	vadd.s32 v20, v53;
	_ =	sdelay $0x3  }
0x9e: {  	v52 =	vperm.xlane v52, v21  }
0x9f: {  	[tilespmem:s25], [sflag:$0x1] =	stream.indirect_vreg.gather [hbm4b:s1+s18], $0x80, v53, vm0, $0xb8;
	[tilespmem:$0x5480] =	vst v63  }
0xa0: {  	v52 =	vadd.s32 v20, v52  }
0xa1: {  	[tilespmem:s26], [sflag:$0x1] =	stream.indirect_vreg.gather [hbm4b:s15+s18], $0x80, v53, vm0, $0xb8;
	[tilespmem:$0x5480] =	vst v63  }
0xa2: {  	_ = 	snop  }
0xa3: {  	[tilespmem:s28], [sflag:$0x1] =	stream.indirect_vreg.gather [hbm4b:s16+s18], $0x80, v53, vm0, $0xb8;
	[tilespmem:$0x5480] =	vst v63  }
0xa4: {  	_ = 	snop  }
0xa5: {  	[tilespmem:s29], [sflag:$0x1] =	stream.indirect_vreg.gather [hbm4b:s1+s18], $0x80, v52, vm0, $0xb8;
	[tilespmem:$0x5480] =	vst v63  }
0xa6: {  	_ = 	snop  }
0xa7: {  	[tilespmem:s30], [sflag:$0x1] =	stream.indirect_vreg.gather [hbm4b:s15+s18], $0x80, v52, vm0, $0xb8;
	[tilespmem:$0x5480] =	vst v63  }
0xa8: {  	_ = 	snop  }
0xa9: {  	[tilespmem:s31], [sflag:$0x1] =	stream.indirect_vreg.gather [hbm4b:s16+s18], $0x80, v52, vm0, $0xb8;
	[tilespmem:$0x5480] =	vst v63  }
0xaa: {  	_ =	swait.ge [sflag:s5], $0x3000  }
0xab: {  	[sflag:s5] =	ssyncset.done $0x0  }
0xac: {  	[sflag:s5] =	ssyncadd.s32 $0xFFFFD000  }
0xad: {  	[hbm4b:s12+s18] =	stream.indirect_vreg.scatter [tilespmem:s25], [sflag:$0x1], $0x80, v37, vm1, $0xb8;
	[tilespmem:$0x5480] =	vst v63  }
0xae: {  	_ = 	snop  }
0xaf: {  	[hbm4b:s12+s18] =	stream.indirect_vreg.scatter [tilespmem:s29], [sflag:$0x1], $0x80, v38, vm1, $0xb8;
	[tilespmem:$0x5480] =	vst v63  }
0xb0: {  	_ = 	snop  }
0xb1: {  	[hbm4b:s12+s18] =	stream.indirect_vreg.scatter [tilespmem:s10], [sflag:$0x1], $0x80, v39, vm1, $0xb8;
	[tilespmem:$0x5480] =	vst v63  }
0xb2: {  	_ = 	snop  }
0xb3: {  	[hbm4b:s12+s18] =	stream.indirect_vreg.scatter [tilespmem:s9], [sflag:$0x1], $0x80, v40, vm1, $0xb8;
	[tilespmem:$0x5480] =	vst v63  }
0xb4: {  	_ = 	snop  }
0xb5: {  	[hbm4b:s12+s18] =	stream.indirect_vreg.scatter [tilespmem:s26], [sflag:$0x1], $0x80, v41, vm1, $0xb8;
	[tilespmem:$0x5480] =	vst v63  }
0xb6: {  	_ = 	snop  }
0xb7: {  	[hbm4b:s12+s18] =	stream.indirect_vreg.scatter [tilespmem:s30], [sflag:$0x1], $0x80, v42, vm1, $0xb8;
	[tilespmem:$0x5480] =	vst v63  }
0xb8: {  	_ = 	snop  }
0xb9: {  	[hbm4b:s12+s18] =	stream.indirect_vreg.scatter [tilespmem:s8], [sflag:$0x1], $0x80, v43, vm1, $0xb8;
	[tilespmem:$0x5480] =	vst v63  }
0xba: {  	_ = 	snop  }
0xbb: {  	[hbm4b:s12+s18] =	stream.indirect_vreg.scatter [tilespmem:s3], [sflag:$0x1], $0x80, v44, vm1, $0xb8;
	[tilespmem:$0x5480] =	vst v63  }
0xbc: {  	_ = 	snop  }
0xbd: {  	[hbm4b:s12+s18] =	stream.indirect_vreg.scatter [tilespmem:s28], [sflag:$0x1], $0x80, v45, vm1, $0xb8;
	[tilespmem:$0x5480] =	vst v63  }
0xbe: {  	_ = 	snop  }
0xbf: {  	[hbm4b:s12+s18] =	stream.indirect_vreg.scatter [tilespmem:s31], [sflag:$0x1], $0x80, v46, vm1, $0xb8;
	[tilespmem:$0x5480] =	vst v63  }
0xc0: {  	_ = 	snop  }
0xc1: {  	[hbm4b:s12+s18] =	stream.indirect_vreg.scatter [tilespmem:s4], [sflag:$0x1], $0x80, v47, vm1, $0xb8;
	[tilespmem:$0x5480] =	vst v63  }
0xc2: {  	_ = 	snop  }
0xc3: {  	[hbm4b:s12+s18] =	stream.indirect_vreg.scatter [tilespmem:s0], [sflag:$0x1], $0x80, v48, vm1, $0xb8;
	[tilespmem:$0x5480] =	vst v63  }
0xc4: {  	_ =	swait.ge [sflag:s5], $0x800  }
0xc5: {  	[sflag:s5] =	ssyncset.done $0x0  }
0xc6: {  	[sflag:s5] =	ssyncadd.s32 $0xFFFFF800  }
0xc7: {  	_ =	swait.ge [sflag:s5], $0x800  }
0xc8: {  	[sflag:s5] =	ssyncset.done $0x0  }
0xc9: {  	[sflag:s5] =	ssyncadd.s32 $0xFFFFF800  }
0xca: {  	_ =	swait.ge [sflag:s5], $0x800  }
0xcb: {  	[sflag:s5] =	ssyncset.done $0x0  }
0xcc: {  	[sflag:s5] =	ssyncadd.s32 $0xFFFFF800  }
0xcd: {  	_ =	swait.ge [sflag:s5], $0x800  }
0xce: {  	[sflag:s5] =	ssyncset.done $0x0  }
0xcf: {  	[sflag:s5] =	ssyncadd.s32 $0xFFFFF800  }
0xd0: {  	_ =	swait.ge [sflag:s5], $0x800  }
0xd1: {  	[sflag:s5] =	ssyncset.done $0x0  }
0xd2: {  	[sflag:s5] =	ssyncadd.s32 $0xFFFFF800  }
0xd3: {  	_ =	swait.ge [sflag:s5], $0x800  }
0xd4: {  	[sflag:s5] =	ssyncset.done $0x0  }
0xd5: {  	[sflag:s5] =	ssyncadd.s32 $0xFFFFF800  }
.LBB2_7:
.Ltmp6:
0xd6: {  	(pc) =	sbr.rel @p2 .LBB2_10-.Ltmp6, $1  }
0xd7: {  	_ =	sdelay $0x3  }
0xd8: {  	s7 =	sld [smem:$0x7F8];
	_ =	sdelay $0x2  }
0xd9: {  	p3 =	seq.s32 s7, $0x1  }
.Ltmp7:
0xda: {  	_ = 	snop;
	(pc) =	sbr.rel @p3 .LBB2_23-.Ltmp7, $1  }
0xdb: {  	_ =	sdelay $0x3  }
0xdc: {  	[tilespmem:s19], [sflag:$0x2] =	stream.linear.gather [hbm4b:s2+s18], $0x2400, $0x38;
	[tilespmem:$0x5480] =	vst v63  }
0xdd: {  	_ =	swait.ge [sflag:s20], $0x2400  }
0xde: {  	[sflag:s20] =	ssyncset.done $0x0  }
0xdf: {  	[sflag:s20] =	ssyncadd.s32 $0xFFFFDC00  }
0xe0: {  	[hbm4b:s12+s18] =	stream.indirect_vreg.scatter [tilespmem:s19], [sflag:$0x1], $0x80, v17, vm0, $0xb8;
	[tilespmem:$0x5480] =	vst v63  }
0xe1: {  	_ = 	snop  }
0xe2: {  	[hbm4b:s12+s18] =	stream.indirect_vreg.scatter [tilespmem:s21], [sflag:$0x1], $0x80, v18, vm0, $0xb8;
	[tilespmem:$0x5480] =	vst v63  }
0xe3: {  	_ = 	snop  }
0xe4: {  	[hbm4b:s12+s18] =	stream.indirect_vreg.scatter [tilespmem:s22], [sflag:$0x1], $0x80, v22, vm0, $0xb8;
	[tilespmem:$0x5480] =	vst v63  }
.Ltmp8:
0xe5: {  	_ = 	snop;
	(pc) =	sbr.rel .LBB2_22-.Ltmp8, $4  }
0xe6: {  	_ = 	snop  }
0xe7: {  	[hbm4b:s12+s18] =	stream.indirect_vreg.scatter [tilespmem:s23], [sflag:$0x1], $0x80, v23, vm0, $0xb8;
	[tilespmem:$0x5480] =	vst v63  }
0xe8: {  	_ = 	snop  }
0xe9: {  	[hbm4b:s12+s18] =	stream.indirect_vreg.scatter [tilespmem:s24], [sflag:$0x1], $0x80, v24, vm0, $0xb8;
	[tilespmem:$0x5480] =	vst v63  }
.LBB2_11:
.Ltmp9:
0xea: {  	(pc) =	sbr.rel @p4 .LBB2_15-.Ltmp9, $1  }
0xeb: {  	_ =	sdelay $0x3  }
0xec: {  	s7 =	sld [smem:$0x7F9];
	_ =	sdelay $0x2  }
0xed: {  	p3 =	seq.s32 s7, $0x1  }
.Ltmp10:
0xee: {  	_ = 	snop;
	(pc) =	sbr.rel @p3 .LBB2_14-.Ltmp10, $1  }
0xef: {  	_ =	sdelay $0x3  }
0xf0: {  	s7 =	rddreg [dreg:$0x7]  }
0xf1: {  	[tilespmem:s18], [sflag:$0x2] =	stream.linear.gather [hbm4b:s7+s18], $0x80, $0x38;
	[tilespmem:$0x5480] =	vst v63  }
0xf2: {  	_ =	swait.ge [sflag:s20], $0x80  }
0xf3: {  	[sflag:s20] =	ssyncset.done $0x0  }
0xf4: {  	[sflag:s20] =	ssyncadd.s32 $0xFFFFFF80  }
0xf5: {  	v52 =	vld.idx.msk [tilespmem:v6+s18+$0x0], $0xffff;
	_ =	sdelay $0x4  }
0xf6: {  	v53 =	vshrl.u32 v52, $0x3  }
0xf7: {  	v53 =	vmul.u32 $0x30, v53  }
0xf8: {  	v52 =	vand.u32 $0x7, v52  }
0xf9: {  	v52 =	vor.u32 v52, v53  }
0xfa: {  	v53 =	vperm.xlane v52, v19;
	_ =	sdelay $0x1  }
0xfb: {  	v53 =	vadd.s32 v20, v53;
	_ =	sdelay $0x3  }
0xfc: {  	v52 =	vperm.xlane v52, v21  }
0xfd: {  	[tilespmem:s25], [sflag:$0x1] =	stream.indirect_vreg.gather [hbm4b:s1+s18], $0x80, v53, vm0, $0xb8;
	[tilespmem:$0x5480] =	vst v63  }
0xfe: {  	v52 =	vadd.s32 v20, v52  }
0xff: {  	[tilespmem:s26], [sflag:$0x1] =	stream.indirect_vreg.gather [hbm4b:s15+s18], $0x80, v53, vm0, $0xb8;
	[tilespmem:$0x5480] =	vst v63  }
0x100: {  	_ = 	snop  }
0x101: {  	[tilespmem:s28], [sflag:$0x1] =	stream.indirect_vreg.gather [hbm4b:s16+s18], $0x80, v53, vm0, $0xb8;
	[tilespmem:$0x5480] =	vst v63  }
0x102: {  	_ = 	snop  }
0x103: {  	[tilespmem:s29], [sflag:$0x1] =	stream.indirect_vreg.gather [hbm4b:s1+s18], $0x80, v52, vm0, $0xb8;
	[tilespmem:$0x5480] =	vst v63  }
0x104: {  	v58 =	vperm.xlane v8, v19  }
0x105: {  	[tilespmem:s30], [sflag:$0x1] =	stream.indirect_vreg.gather [hbm4b:s15+s18], $0x80, v52, vm0, $0xb8;
	[tilespmem:$0x5480] =	vst v63  }
0x106: {  	v54 =	vperm.xlane v8, v21;
	v53 =	vadd.s32 v20, v58  }
0x107: {  	[tilespmem:s31], [sflag:$0x1] =	stream.indirect_vreg.gather [hbm4b:s16+s18], $0x80, v52, vm0, $0xb8;
	[tilespmem:$0x5480] =	vst v63  }
0x108: {  	v60 =	vperm.xlane v12, v19;
	v59 =	vadd.s32 v20, v54;
	_ =	swait.ge [sflag:s5], $0x3000  }
0x109: {  	[sflag:s5] =	ssyncset.done $0x0  }
0x10a: {  	v55 =	vperm.xlane v12, v21;
	v54 =	vadd.s32 v20, v60;
	[sflag:s5] =	ssyncadd.s32 $0xFFFFD000  }
0x10b: {  	[hbm4b:s13+s18] =	stream.indirect_vreg.scatter [tilespmem:s25], [sflag:$0x1], $0x80, v53, vm1, $0xb8;
	[tilespmem:$0x5480] =	vst v63  }
0x10c: {  	v62 =	vperm.xlane v13, v19;
	v61 =	vadd.s32 v20, v55  }
0x10d: {  	[hbm4b:s13+s18] =	stream.indirect_vreg.scatter [tilespmem:s29], [sflag:$0x1], $0x80, v59, vm1, $0xb8;
	[tilespmem:$0x5480] =	vst v63  }
0x10e: {  	v57 =	vperm.xlane v13, v21;
	v63 =	vadd.s32 v20, v62  }
0x10f: {  	[hbm4b:s13+s18] =	stream.indirect_vreg.scatter [tilespmem:s10], [sflag:$0x1], $0x80, v54, vm1, $0xb8;
	[tilespmem:$0x5480] =	vst v63  }
0x110: {  	v58 =	vadd.s32 v20, v57;
	v59 =	vperm.xlane v14, v19  }
0x111: {  	[hbm4b:s13+s18] =	stream.indirect_vreg.scatter [tilespmem:s9], [sflag:$0x1], $0x80, v61, vm1, $0xb8;
	[tilespmem:$0x5480] =	vst v63  }
0x112: {  	v60 =	vadd.s32 v20, v59;
	v61 =	vperm.xlane v14, v21  }
0x113: {  	[hbm4b:s13+s18] =	stream.indirect_vreg.scatter [tilespmem:s26], [sflag:$0x1], $0x80, v63, vm1, $0xb8;
	[tilespmem:$0x5480] =	vst v63  }
0x114: {  	v62 =	vadd.s32 v20, v61;
	v63 =	vperm.xlane v15, v19  }
0x115: {  	[hbm4b:s13+s18] =	stream.indirect_vreg.scatter [tilespmem:s30], [sflag:$0x1], $0x80, v58, vm1, $0xb8;
	[tilespmem:$0x5480] =	vst v63  }
0x116: {  	v57 =	vadd.s32 v20, v63;
	v58 =	vperm.xlane v15, v21  }
0x117: {  	[hbm4b:s13+s18] =	stream.indirect_vreg.scatter [tilespmem:s8], [sflag:$0x1], $0x80, v60, vm1, $0xb8;
	[tilespmem:$0x5480] =	vst v63  }
0x118: {  	v59 =	vadd.s32 v20, v58;
	v60 =	vperm.xlane v16, v19  }
0x119: {  	[hbm4b:s13+s18] =	stream.indirect_vreg.scatter [tilespmem:s3], [sflag:$0x1], $0x80, v62, vm1, $0xb8;
	[tilespmem:$0x5480] =	vst v63  }
0x11a: {  	v61 =	vadd.s32 v20, v60;
	v62 =	vperm.xlane v16, v21  }
0x11b: {  	[hbm4b:s13+s18] =	stream.indirect_vreg.scatter [tilespmem:s28], [sflag:$0x1], $0x80, v57, vm1, $0xb8;
	[tilespmem:$0x5480] =	vst v63  }
0x11c: {  	v63 =	vadd.s32 v20, v62  }
0x11d: {  	[hbm4b:s13+s18] =	stream.indirect_vreg.scatter [tilespmem:s31], [sflag:$0x1], $0x80, v59, vm1, $0xb8;
	[tilespmem:$0x5480] =	vst v63  }
0x11e: {  	_ = 	snop  }
0x11f: {  	[hbm4b:s13+s18] =	stream.indirect_vreg.scatter [tilespmem:s4], [sflag:$0x1], $0x80, v61, vm1, $0xb8;
	[tilespmem:$0x5480] =	vst v63  }
.Ltmp11:
0x120: {  	_ = 	snop;
	(pc) =	sbr.rel .LBB2_22-.Ltmp11, $4  }
0x121: {  	[hbm4b:s13+s18] =	stream.indirect_vreg.scatter [tilespmem:s0], [sflag:$0x1], $0x80, v63, vm1, $0xb8;
	[tilespmem:$0x5480] =	vst v63  }
0x122: {  	_ =	swait.ge [sflag:s5], $0x800  }
0x123: {  	[sflag:s5] =	ssyncset.done $0x0  }
0x124: {  	[sflag:s5] =	ssyncadd.s32 $0xFFFFF800  }
.LBB2_15:
0x125: {  	s7 =	sld [smem:$0x7FA];
	_ =	sdelay $0x2  }
0x126: {  	p3 =	seq.s32 s7, $0x1  }
.Ltmp12:
0x127: {  	_ = 	snop;
	(pc) =	sbr.rel @p3 .LBB2_23-.Ltmp12, $1  }
0x128: {  	_ =	sdelay $0x3  }
0x129: {  	s7 =	sld [smem:$0x7FD];
	_ =	sdelay $0x2  }
0x12a: {  	p3 =	seq.s32 s7, $0x1  }
.Ltmp13:
0x12b: {  	_ = 	snop;
	(pc) =	sbr.rel @p3 .LBB2_18-.Ltmp13, $1  }
0x12c: {  	_ =	sdelay $0x3  }
0x12d: {  	s7 =	rddreg [dreg:$0x8]  }
0x12e: {  	[tilespmem:s18], [sflag:$0x2] =	stream.linear.gather [hbm4b:s7+s18], $0x80, $0x38;
	[tilespmem:$0x5480] =	vst v63  }
0x12f: {  	_ =	swait.ge [sflag:s20], $0x80  }
0x130: {  	[sflag:s20] =	ssyncset.done $0x0  }
0x131: {  	[sflag:s20] =	ssyncadd.s32 $0xFFFFFF80  }
0x132: {  	v52 =	vld.idx.msk [tilespmem:v2+s18+$0x0], $0xffff;
	_ =	sdelay $0x4  }
0x133: {  	v53 =	vshrl.u32 v52, $0x3  }
0x134: {  	v53 =	vmul.u32 $0x30, v53  }
0x135: {  	v52 =	vand.u32 $0x7, v52  }
0x136: {  	v52 =	vor.u32 v52, v53  }
0x137: {  	v53 =	vperm.xlane v52, v19;
	_ =	sdelay $0x1  }
0x138: {  	v53 =	vadd.s32 v20, v53;
	_ =	sdelay $0x3  }
0x139: {  	v52 =	vperm.xlane v52, v21  }
0x13a: {  	[tilespmem:s25], [sflag:$0x1] =	stream.indirect_vreg.gather [hbm4b:s1+s18], $0x80, v53, vm0, $0xb8;
	[tilespmem:$0x5480] =	vst v63  }
0x13b: {  	v52 =	vadd.s32 v20, v52  }
0x13c: {  	[tilespmem:s26], [sflag:$0x1] =	stream.indirect_vreg.gather [hbm4b:s15+s18], $0x80, v53, vm0, $0xb8;
	[tilespmem:$0x5480] =	vst v63  }
0x13d: {  	_ = 	snop  }
0x13e: {  	[tilespmem:s28], [sflag:$0x1] =	stream.indirect_vreg.gather [hbm4b:s16+s18], $0x80, v53, vm0, $0xb8;
	[tilespmem:$0x5480] =	vst v63  }
0x13f: {  	_ = 	snop  }
0x140: {  	[tilespmem:s29], [sflag:$0x1] =	stream.indirect_vreg.gather [hbm4b:s1+s18], $0x80, v52, vm0, $0xb8;
	[tilespmem:$0x5480] =	vst v63  }
0x141: {  	v58 =	vperm.xlane v3, v19  }
0x142: {  	[tilespmem:s30], [sflag:$0x1] =	stream.indirect_vreg.gather [hbm4b:s15+s18], $0x80, v52, vm0, $0xb8;
	[tilespmem:$0x5480] =	vst v63  }
0x143: {  	v54 =	vperm.xlane v3, v21;
	v53 =	vadd.s32 v20, v58  }
0x144: {  	[tilespmem:s31], [sflag:$0x1] =	stream.indirect_vreg.gather [hbm4b:s16+s18], $0x80, v52, vm0, $0xb8;
	[tilespmem:$0x5480] =	vst v63  }
0x145: {  	v60 =	vperm.xlane v4, v19;
	v59 =	vadd.s32 v20, v54;
	_ =	swait.ge [sflag:s5], $0x3000  }
0x146: {  	[sflag:s5] =	ssyncset.done $0x0  }
0x147: {  	v55 =	vperm.xlane v4, v21;
	v54 =	vadd.s32 v20, v60;
	[sflag:s5] =	ssyncadd.s32 $0xFFFFD000  }
0x148: {  	[hbm4b:s14+s18] =	stream.indirect_vreg.scatter [tilespmem:s25], [sflag:$0x1], $0x80, v53, vm1, $0xb8;
	[tilespmem:$0x5480] =	vst v63  }
0x149: {  	v62 =	vperm.xlane v5, v19;
	v61 =	vadd.s32 v20, v55  }
0x14a: {  	[hbm4b:s14+s18] =	stream.indirect_vreg.scatter [tilespmem:s29], [sflag:$0x1], $0x80, v59, vm1, $0xb8;
	[tilespmem:$0x5480] =	vst v63  }
0x14b: {  	v57 =	vperm.xlane v5, v21;
	v63 =	vadd.s32 v20, v62  }
0x14c: {  	[hbm4b:s14+s18] =	stream.indirect_vreg.scatter [tilespmem:s10], [sflag:$0x1], $0x80, v54, vm1, $0xb8;
	[tilespmem:$0x5480] =	vst v63  }
0x14d: {  	v58 =	vadd.s32 v20, v57;
	v59 =	vperm.xlane v7, v19  }
0x14e: {  	[hbm4b:s14+s18] =	stream.indirect_vreg.scatter [tilespmem:s9], [sflag:$0x1], $0x80, v61, vm1, $0xb8;
	[tilespmem:$0x5480] =	vst v63  }
0x14f: {  	v60 =	vadd.s32 v20, v59;
	v61 =	vperm.xlane v7, v21  }
0x150: {  	[hbm4b:s14+s18] =	stream.indirect_vreg.scatter [tilespmem:s26], [sflag:$0x1], $0x80, v63, vm1, $0xb8;
	[tilespmem:$0x5480] =	vst v63  }
0x151: {  	v62 =	vadd.s32 v20, v61;
	v63 =	vperm.xlane v10, v19  }
0x152: {  	[hbm4b:s14+s18] =	stream.indirect_vreg.scatter [tilespmem:s30], [sflag:$0x1], $0x80, v58, vm1, $0xb8;
	[tilespmem:$0x5480] =	vst v63  }
0x153: {  	v57 =	vadd.s32 v20, v63;
	v58 =	vperm.xlane v10, v21  }
0x154: {  	[hbm4b:s14+s18] =	stream.indirect_vreg.scatter [tilespmem:s8], [sflag:$0x1], $0x80, v60, vm1, $0xb8;
	[tilespmem:$0x5480] =	vst v63  }
0x155: {  	v59 =	vadd.s32 v20, v58;
	v60 =	vperm.xlane v11, v19  }
0x156: {  	[hbm4b:s14+s18] =	stream.indirect_vreg.scatter [tilespmem:s3], [sflag:$0x1], $0x80, v62, vm1, $0xb8;
	[tilespmem:$0x5480] =	vst v63  }
0x157: {  	v61 =	vadd.s32 v20, v60;
	v62 =	vperm.xlane v11, v21  }
0x158: {  	[hbm4b:s14+s18] =	stream.indirect_vreg.scatter [tilespmem:s28], [sflag:$0x1], $0x80, v57, vm1, $0xb8;
	[tilespmem:$0x5480] =	vst v63  }
0x159: {  	v63 =	vadd.s32 v20, v62  }
0x15a: {  	[hbm4b:s14+s18] =	stream.indirect_vreg.scatter [tilespmem:s31], [sflag:$0x1], $0x80, v59, vm1, $0xb8;
	[tilespmem:$0x5480] =	vst v63  }
0x15b: {  	_ = 	snop  }
0x15c: {  	[hbm4b:s14+s18] =	stream.indirect_vreg.scatter [tilespmem:s4], [sflag:$0x1], $0x80, v61, vm1, $0xb8;
	[tilespmem:$0x5480] =	vst v63  }
0x15d: {  	_ = 	snop  }
0x15e: {  	[hbm4b:s14+s18] =	stream.indirect_vreg.scatter [tilespmem:s0], [sflag:$0x1], $0x80, v63, vm1, $0xb8;
	[tilespmem:$0x5480] =	vst v63  }
0x15f: {  	_ =	swait.ge [sflag:s5], $0x800  }
0x160: {  	[sflag:s5] =	ssyncset.done $0x0  }
0x161: {  	[sflag:s5] =	ssyncadd.s32 $0xFFFFF800  }
0x162: {  	_ =	swait.ge [sflag:s5], $0x800  }
0x163: {  	[sflag:s5] =	ssyncset.done $0x0  }
0x164: {  	[sflag:s5] =	ssyncadd.s32 $0xFFFFF800  }
0x165: {  	_ =	swait.ge [sflag:s5], $0x800  }
0x166: {  	[sflag:s5] =	ssyncset.done $0x0  }
0x167: {  	[sflag:s5] =	ssyncadd.s32 $0xFFFFF800  }
0x168: {  	_ =	swait.ge [sflag:s5], $0x800  }
0x169: {  	[sflag:s5] =	ssyncset.done $0x0  }
0x16a: {  	[sflag:s5] =	ssyncadd.s32 $0xFFFFF800  }
0x16b: {  	_ =	swait.ge [sflag:s5], $0x800  }
0x16c: {  	[sflag:s5] =	ssyncset.done $0x0  }
0x16d: {  	[sflag:s5] =	ssyncadd.s32 $0xFFFFF800  }
0x16e: {  	_ =	swait.ge [sflag:s5], $0x800  }
0x16f: {  	[sflag:s5] =	ssyncset.done $0x0  }
0x170: {  	[sflag:s5] =	ssyncadd.s32 $0xFFFFF800  }
.LBB2_18:
0x171: {  	s7 =	sld [smem:$0x7FB];
	_ =	sdelay $0x2  }
0x172: {  	p3 =	seq.s32 s7, $0x1  }
.Ltmp14:
0x173: {  	_ = 	snop;
	(pc) =	sbr.rel @p3 .LBB2_21-.Ltmp14, $1  }
0x174: {  	_ =	sdelay $0x3  }
0x175: {  	s7 =	sld [smem:$0x7FC];
	_ =	sdelay $0x2  }
0x176: {  	p3 =	seq.s32 s7, $0x1  }
.Ltmp15:
0x177: {  	_ = 	snop;
	(pc) =	sbr.rel @p3 .LBB2_23-.Ltmp15, $1  }
0x178: {  	_ =	sdelay $0x3  }
0x179: {  	s7 =	rddreg [dreg:$0x3]  }
0x17a: {  	[tilespmem:s19], [sflag:$0x2] =	stream.linear.gather [hbm4b:s7+s18], $0x2400, $0x38;
	[tilespmem:$0x5480] =	vst v63  }
0x17b: {  	_ =	swait.ge [sflag:s20], $0x2400  }
0x17c: {  	[sflag:s20] =	ssyncset.done $0x0  }
0x17d: {  	[sflag:s20] =	ssyncadd.s32 $0xFFFFDC00  }
0x17e: {  	[hbm4b:s14+s18] =	stream.indirect_vreg.scatter [tilespmem:s19], [sflag:$0x1], $0x80, v17, vm0, $0xb8;
	[tilespmem:$0x5480] =	vst v63  }
0x17f: {  	_ = 	snop  }
0x180: {  	[hbm4b:s14+s18] =	stream.indirect_vreg.scatter [tilespmem:s21], [sflag:$0x1], $0x80, v18, vm0, $0xb8;
	[tilespmem:$0x5480] =	vst v63  }
0x181: {  	_ = 	snop  }
0x182: {  	[hbm4b:s14+s18] =	stream.indirect_vreg.scatter [tilespmem:s22], [sflag:$0x1], $0x80, v22, vm0, $0xb8;
	[tilespmem:$0x5480] =	vst v63  }
.Ltmp16:
0x183: {  	_ = 	snop;
	(pc) =	sbr.rel .LBB2_22-.Ltmp16, $4  }
0x184: {  	_ = 	snop  }
0x185: {  	[hbm4b:s14+s18] =	stream.indirect_vreg.scatter [tilespmem:s23], [sflag:$0x1], $0x80, v23, vm0, $0xb8;
	[tilespmem:$0x5480] =	vst v63  }
0x186: {  	_ = 	snop  }
0x187: {  	[hbm4b:s14+s18] =	stream.indirect_vreg.scatter [tilespmem:s24], [sflag:$0x1], $0x80, v24, vm0, $0xb8;
	[tilespmem:$0x5480] =	vst v63  }
.LBB2_10:
0x188: {  	s7 =	rddreg [dreg:$0x2]  }
0x189: {  	[tilespmem:s19], [sflag:$0x2] =	stream.linear.gather [hbm4b:s7+s18], $0x2400, $0x38;
	[tilespmem:$0x5480] =	vst v63  }
0x18a: {  	_ =	swait.ge [sflag:s20], $0x2400  }
0x18b: {  	[sflag:s20] =	ssyncset.done $0x0  }
0x18c: {  	[sflag:s20] =	ssyncadd.s32 $0xFFFFDC00  }
0x18d: {  	[hbm4b:s12+s18] =	stream.indirect_vreg.scatter [tilespmem:s19], [sflag:$0x1], $0x80, v49, vm0, $0xb8;
	[tilespmem:$0x5480] =	vst v63  }
0x18e: {  	_ = 	snop  }
0x18f: {  	v52 =	vadd.s32 $0x7E, v0;
	[hbm4b:s12+s18] =	stream.indirect_vreg.scatter [tilespmem:s21], [sflag:$0x1], $0x80, v50, vm0, $0xb8;
	[tilespmem:$0x5480] =	vst v63  }
0x190: {  	_ = 	snop  }
0x191: {  	v53 =	vadd.s32 $0x86, v0;
	[hbm4b:s12+s18] =	stream.indirect_vreg.scatter [tilespmem:s22], [sflag:$0x1], $0x80, v51, vm0, $0xb8;
	[tilespmem:$0x5480] =	vst v63  }
.Ltmp17:
0x192: {  	_ = 	snop;
	(pc) =	sbr.rel .LBB2_22-.Ltmp17, $4  }
0x193: {  	_ = 	snop  }
0x194: {  	[hbm4b:s12+s18] =	stream.indirect_vreg.scatter [tilespmem:s23], [sflag:$0x1], $0x80, v52, vm0, $0xb8;
	[tilespmem:$0x5480] =	vst v63  }
0x195: {  	_ = 	snop  }
0x196: {  	[hbm4b:s12+s18] =	stream.indirect_vreg.scatter [tilespmem:s24], [sflag:$0x1], $0x80, v53, vm0, $0xb8;
	[tilespmem:$0x5480] =	vst v63  }
.LBB2_14:
0x197: {  	s7 =	rddreg [dreg:$0x3]  }
0x198: {  	[tilespmem:s19], [sflag:$0x2] =	stream.linear.gather [hbm4b:s7+s18], $0x2400, $0x38;
	[tilespmem:$0x5480] =	vst v63  }
0x199: {  	_ =	swait.ge [sflag:s20], $0x2400  }
0x19a: {  	[sflag:s20] =	ssyncset.done $0x0  }
0x19b: {  	[sflag:s20] =	ssyncadd.s32 $0xFFFFDC00  }
0x19c: {  	[hbm4b:s13+s18] =	stream.indirect_vreg.scatter [tilespmem:s19], [sflag:$0x1], $0x80, v17, vm0, $0xb8;
	[tilespmem:$0x5480] =	vst v63  }
0x19d: {  	_ = 	snop  }
0x19e: {  	[hbm4b:s13+s18] =	stream.indirect_vreg.scatter [tilespmem:s21], [sflag:$0x1], $0x80, v18, vm0, $0xb8;
	[tilespmem:$0x5480] =	vst v63  }
0x19f: {  	_ = 	snop  }
0x1a0: {  	[hbm4b:s13+s18] =	stream.indirect_vreg.scatter [tilespmem:s22], [sflag:$0x1], $0x80, v22, vm0, $0xb8;
	[tilespmem:$0x5480] =	vst v63  }
.Ltmp18:
0x1a1: {  	_ = 	snop;
	(pc) =	sbr.rel .LBB2_22-.Ltmp18, $4  }
0x1a2: {  	_ = 	snop  }
0x1a3: {  	[hbm4b:s13+s18] =	stream.indirect_vreg.scatter [tilespmem:s23], [sflag:$0x1], $0x80, v23, vm0, $0xb8;
	[tilespmem:$0x5480] =	vst v63  }
0x1a4: {  	_ = 	snop  }
0x1a5: {  	[hbm4b:s13+s18] =	stream.indirect_vreg.scatter [tilespmem:s24], [sflag:$0x1], $0x80, v24, vm0, $0xb8;
	[tilespmem:$0x5480] =	vst v63  }
.LBB2_21:
0x1a6: {  	s7 =	rddreg [dreg:$0x4]  }
0x1a7: {  	[tilespmem:s19], [sflag:$0x2] =	stream.linear.gather [hbm4b:s7+s18], $0x2400, $0x38;
	[tilespmem:$0x5480] =	vst v63  }
0x1a8: {  	_ =	swait.ge [sflag:s20], $0x2400  }
0x1a9: {  	[sflag:s20] =	ssyncset.done $0x0  }
0x1aa: {  	[sflag:s20] =	ssyncadd.s32 $0xFFFFDC00  }
0x1ab: {  	[hbm4b:s14+s18] =	stream.indirect_vreg.scatter [tilespmem:s19], [sflag:$0x1], $0x80, v49, vm0, $0xb8;
	[tilespmem:$0x5480] =	vst v63  }
0x1ac: {  	_ = 	snop  }
0x1ad: {  	v52 =	vadd.s32 $0x7E, v0;
	[hbm4b:s14+s18] =	stream.indirect_vreg.scatter [tilespmem:s21], [sflag:$0x1], $0x80, v50, vm0, $0xb8;
	[tilespmem:$0x5480] =	vst v63  }
0x1ae: {  	_ = 	snop  }
0x1af: {  	v53 =	vadd.s32 $0x86, v0;
	[hbm4b:s14+s18] =	stream.indirect_vreg.scatter [tilespmem:s22], [sflag:$0x1], $0x80, v51, vm0, $0xb8;
	[tilespmem:$0x5480] =	vst v63  }
.Ltmp19:
0x1b0: {  	_ = 	snop;
	(pc) =	sbr.rel .LBB2_22-.Ltmp19, $4  }
0x1b1: {  	_ = 	snop  }
0x1b2: {  	[hbm4b:s14+s18] =	stream.indirect_vreg.scatter [tilespmem:s23], [sflag:$0x1], $0x80, v52, vm0, $0xb8;
	[tilespmem:$0x5480] =	vst v63  }
0x1b3: {  	_ = 	snop  }
0x1b4: {  	[hbm4b:s14+s18] =	stream.indirect_vreg.scatter [tilespmem:s24], [sflag:$0x1], $0x80, v53, vm0, $0xb8;
	[tilespmem:$0x5480] =	vst v63  }
.LBB2_24:
0x1b5: {  	_ =	sfence.sel $0x180000  }
0x1b6: {  	[bflag:$0x0] =	sbarrier.arrive $0xFFFF  }
0x1b7: {  	_ =	strace $0x90000047  }
0x1b8: {  	s0 =	stileid.u32;
	[bflag:$0x2] =	sbarrier.arrive $0xFFFF  }
0x1b9: {  	p0 =	sne.s32 s0, $0x0;
	s0 =	rddreg [dreg:$0xa]  }
0x1ba: {  	s0 =	sadd.s32 @!p0 $0x100000, s0  }
0x1bb: {  	[sflag:s0] =	ssyncadd.tile.s32 @!p0 $0x1;
	_ =	shalt  }
.Lfunc_end2:
_tile_overlayer_lowered:
.L_overlay_start_2:
0x1bc: {  	(tag) =	ssettag $0x2  }
0x1bd: {  	s0 =	rddreg [dreg:$0x0];
	s2 =	stileid.u32  }
0x1be: {  	s1 =	rddreg [dreg:$0x1];
	p0 =	sne.s32 s2, $0x0  }
0x1bf: {  	s3 =	rddreg [dreg:$0x2];
	[bflag:$0x3] =	sbarrier.arrive $0xFFFF;
	s2 =	simm.s32 @!p0 $0x1C02  }
0x1c0: {  	[timem:s3], [sflag:s2] =	dma.local @!p0 [hbm:s0], s1  }
0x1c1: {  	s0 =	simm.s32 @!p0 $0x2  }
0x1c2: {  	_ =	swait.ge @!p0 [sflag:s0], s1  }
0x1c3: {  	s1 =	ssub.s32 @!p0 $0x0, s1;
	[sflag:s0] =	ssyncset.done @!p0 $0x0  }
0x1c4: {  	[sflag:s0] =	ssyncadd.s32 @!p0 s1  }
0x1c5: {  	[bflag:$0x3] =	sbarrier.arrive $0xFFFF  }
0x1c6: {  	_ =	shalt  }

</sc_bundles>
